<compile_context>
chip_gen: v7x
topology: tpu7x:2x2x1
jax: 0.10.2.dev20260603
libtpu: 0.0.44.dev20260713+nightly
codegen_flags: <defaults>
</compile_context>

<pallas_src>
import functools

import jax
import jax.numpy as jnp
from jax import lax
from jax.experimental import pallas as pl
from jax.experimental.pallas import tpu as pltpu
from jax.experimental.pallas import tpu_sc as plsc

T = 2048
D = 1024
E = 8
TOPK = 2
DFF = 512
NG = 4
TG = 2
NSH = 2
RSF = 2.5

TB = 256
NBLK = T * TOPK // TB + E
NP = NBLK * TB

NC = 2
NS = 16
NW = NC * NS
APW = T * TOPK // NW
TPW = T // NW


def _ranks(vals):
    t, n = vals.shape
    cols = n * n
    b_t = jnp.concatenate([vals] * n, axis=1)
    a_r = jnp.concatenate(
        [jnp.broadcast_to(vals[:, i:i + 1], (t, n)) for i in range(n)],
        axis=1)
    lane = lax.broadcasted_iota(jnp.int32, (t, cols), 1)
    tie_lower = (lane % n) < (lane // n)
    beats = (b_t > a_r) | ((b_t == a_r) & tie_lower)
    mrow = lax.broadcasted_iota(jnp.int32, (cols, n), 0)
    mcol = lax.broadcasted_iota(jnp.int32, (cols, n), 1)
    M2 = (mrow // n == mcol).astype(jnp.float32)
    rank = lax.dot_general(beats.astype(jnp.float32), M2,
                           (((1,), (0,)), ((), ())),
                           preferred_element_type=jnp.float32)
    return rank.astype(jnp.int32)


def _gate_body(x_ref, gw_ref, bias_ref, pos_ref, w0_ref, w1_ref,
               bexp_ref, bval_ref):
    x = x_ref[...]
    logits = lax.dot_general(x, gw_ref[...], (((1,), (1,)), ((), ())),
                             preferred_element_type=jnp.float32)
    scores = jax.nn.sigmoid(logits)
    sfc = scores + bias_ref[...]
    grow = lax.broadcasted_iota(jnp.int32, (NG, E), 0)
    gcol = lax.broadcasted_iota(jnp.int32, (NG, E), 1)
    M = (gcol // (E // NG) == grow).astype(jnp.float32)
    gm = lax.dot_general(sfc, M, (((1,), (1,)), ((), ())),
                         preferred_element_type=jnp.float32,
                         precision=lax.Precision.HIGHEST)
    gsel = _ranks(gm) < TG
    emaskf = lax.dot_general(gsel.astype(jnp.float32), M,
                             (((1,), (0,)), ((), ())),
                             preferred_element_type=jnp.float32)
    masked = jnp.where(emaskf > 0.5, sfc, -jnp.inf)
    rk = _ranks(masked)
    sel0 = (rk == 0).astype(jnp.float32)
    sel1 = (rk == 1).astype(jnp.float32)
    w0 = jnp.sum(scores * sel0, axis=1, keepdims=True)
    w1 = jnp.sum(scores * sel1, axis=1, keepdims=True)
    denom = w0[:, 0] + w1[:, 0]
    denom = (denom + 1e-20).reshape(w0.shape)
    w0_ref[...] = w0 / denom * RSF
    w1_ref[...] = w1 / denom * RSF

    eself = (rk < TOPK).astype(jnp.float32)
    cnt = jnp.sum(eself, axis=0, keepdims=True)
    padded = jnp.floor((cnt + (TB - 1)) / TB) * TB
    li = lax.broadcasted_iota(jnp.int32, (E, E), 0)
    lj = lax.broadcasted_iota(jnp.int32, (E, E), 1)
    Ltri = (li < lj).astype(jnp.float32)
    off = lax.dot_general(padded, Ltri, (((1,), (0,)), ((), ())),
                          preferred_element_type=jnp.float32,
                          precision=lax.Precision.HIGHEST)
    cb = 512
    ci = lax.broadcasted_iota(jnp.int32, (cb, cb), 0)
    cj = lax.broadcasted_iota(jnp.int32, (cb, cb), 1)
    Lincl = (ci >= cj).astype(jnp.float32)
    carry = jnp.zeros((1, E), jnp.float32)
    csum_parts = []
    for i in range(T // cb):
        blk = eself[i * cb:(i + 1) * cb, :]
        csum_parts.append(
            lax.dot_general(Lincl, blk, (((1,), (0,)), ((), ())),
                            preferred_element_type=jnp.float32) + carry)
        carry = carry + jnp.sum(blk, axis=0, keepdims=True)
    csum = jnp.concatenate(csum_parts, axis=0)
    rank = csum - eself
    posmat = rank + off
    pos0 = jnp.sum(posmat * sel0, axis=1, keepdims=True)
    pos1 = jnp.sum(posmat * sel1, axis=1, keepdims=True)
    pos_ref[...] = jnp.concatenate([pos0, pos1], axis=0).astype(jnp.int32)

    ends = off + padded
    rends = off + cnt
    bstart = (lax.broadcasted_iota(jnp.int32, (NBLK, 1), 0) * TB
              ).astype(jnp.float32)
    bexp = jnp.sum((bstart >= ends).astype(jnp.int32), axis=1, keepdims=True)
    bexp = jnp.minimum(bexp, E - 1)
    ecol = lax.broadcasted_iota(jnp.int32, (NBLK, E), 1)
    bvalid = jnp.sum(((ecol == bexp) & (bstart < rends)).astype(jnp.int32),
                     axis=1, keepdims=True)
    bexp_ref[...] = bexp
    bval_ref[...] = bvalid


def _dispatch_body(x_hbm, pos_hbm, xg_hbm, pos_v, xs_v, sem):
    wid = lax.axis_index("s") * NC + lax.axis_index("c")
    tb0 = (wid * APW) % T
    pltpu.sync_copy(pos_hbm.at[pl.ds(wid * 2, 2), :], pos_v)
    for j in range(2):
        pltpu.sync_copy(x_hbm.at[pl.ds(tb0 + j * 64, 64), :], xs_v)
        pltpu.async_copy(xs_v, xg_hbm.at[pos_v.at[j]], sem).wait()


def _backmap_body(eg_hbm, pos_hbm, r0_hbm, r1_hbm,
                  p_v, g0_v, g1_v, sem):
    wid = lax.axis_index("s") * NC + lax.axis_index("c")
    tb0 = wid * TPW
    pltpu.sync_copy(pos_hbm.at[wid], p_v.at[0])
    pltpu.sync_copy(pos_hbm.at[NW + wid], p_v.at[1])
    for cg in range(2):
        cp0 = eg_hbm.at[p_v.at[0, pl.ds(cg * 32, 32)]]
        cp1 = eg_hbm.at[p_v.at[1, pl.ds(cg * 32, 32)]]
        c0 = pltpu.async_copy(cp0, g0_v, sem)
        c1 = pltpu.async_copy(cp1, g1_v, sem)
        c0.wait()
        c1.wait()
        pltpu.sync_copy(g0_v, r0_hbm.at[pl.ds(tb0 + cg * 32, 32), :])
        pltpu.sync_copy(g1_v, r1_hbm.at[pl.ds(tb0 + cg * 32, 32), :])


def _grouped_body(bexp_s, bval_s, xg_ref, w13_ref, w2_ref, eg_ref):
    b = pl.program_id(0)

    @pl.when(bval_s[b] > 0)
    def _():
        xg = xg_ref[...]
        gu = lax.dot_general(xg, w13_ref[0], (((1,), (1,)), ((), ())),
                             preferred_element_type=jnp.float32)
        g = gu[:, :DFF]
        u = gu[:, DFF:]
        act = g * jax.nn.sigmoid(g) * u
        eg_ref[...] = lax.dot_general(act.astype(jnp.bfloat16), w2_ref[0],
                                      (((1,), (1,)), ((), ())),
                                      preferred_element_type=jnp.float32)


def _shared_body(x_ref, sgu_ref, sdn_ref, out_ref):
    x = x_ref[...]
    gu = lax.dot_general(x, sgu_ref[...], (((1,), (1,)), ((), ())),
                         preferred_element_type=jnp.float32)
    h = DFF * NSH
    g = gu[:, :h]
    u = gu[:, h:]
    act = g * jax.nn.sigmoid(g) * u
    out_ref[...] = lax.dot_general(act.astype(jnp.bfloat16), sdn_ref[...],
                                   (((1,), (1,)), ((), ())),
                                   preferred_element_type=jnp.float32)


def _add_body(sh_ref, r0_ref, r1_ref, w0_ref, w1_ref, out_ref):
    out_ref[...] = (sh_ref[...] + r0_ref[...] * w0_ref[...]
                    + r1_ref[...] * w1_ref[...])


@functools.cache
def _sc_kernels():
    mesh = plsc.VectorSubcoreMesh(core_axis_name="c", subcore_axis_name="s",
                                  num_cores=NC, num_subcores=NS)
    dispatch = pl.kernel(
        _dispatch_body,
        out_type=jax.ShapeDtypeStruct((NP, D), jnp.float32),
        mesh=mesh,
        scratch_types=[
            pltpu.VMEM((2, APW // 2), jnp.int32),
            pltpu.VMEM((APW // 2, D), jnp.float32),
            pltpu.SemaphoreType.DMA,
        ],
    )
    backmap = pl.kernel(
        _backmap_body,
        out_type=(jax.ShapeDtypeStruct((T, D), jnp.float32),
                  jax.ShapeDtypeStruct((T, D), jnp.float32)),
        mesh=mesh,
        scratch_types=[
            pltpu.VMEM((2, TPW), jnp.int32),
            pltpu.VMEM((32, D), jnp.float32),
            pltpu.VMEM((32, D), jnp.float32),
            pltpu.SemaphoreType.DMA,
        ],
    )
    return dispatch, backmap


@jax.jit
def kernel(hidden_states, gate_weight, e_score_correction_bias, w13, w2,
           shared_gate_up, shared_down):
    x = hidden_states
    bias2d = e_score_correction_bias.reshape(1, E)

    pos, w0c, w1c, bexp, bvalid = pl.pallas_call(
        _gate_body,
        out_shape=(
            jax.ShapeDtypeStruct((TOPK * T, 1), jnp.int32),
            jax.ShapeDtypeStruct((T, 1), jnp.float32),
            jax.ShapeDtypeStruct((T, 1), jnp.float32),
            jax.ShapeDtypeStruct((NBLK, 1), jnp.int32),
            jax.ShapeDtypeStruct((NBLK, 1), jnp.int32),
        ),
    )(x, gate_weight, bias2d)

    pos64 = pos.reshape(TOPK * T // 64, 64)
    bexp1 = bexp.reshape(NBLK)
    bval1 = bvalid.reshape(NBLK)

    tb2 = 512
    sh = pl.pallas_call(
        _shared_body,
        grid=(T // tb2,),
        in_specs=[
            pl.BlockSpec((tb2, D), lambda t: (t, 0)),
            pl.BlockSpec((2 * DFF * NSH, D), lambda t: (0, 0)),
            pl.BlockSpec((D, DFF * NSH), lambda t: (0, 0)),
        ],
        out_specs=pl.BlockSpec((tb2, D), lambda t: (t, 0)),
        out_shape=jax.ShapeDtypeStruct((T, D), jnp.float32),
    )(x, shared_gate_up, shared_down)

    _dispatch, _backmap = _sc_kernels()
    xg = _dispatch(x, pos64)

    eg = pl.pallas_call(
        _grouped_body,
        grid_spec=pltpu.PrefetchScalarGridSpec(
            num_scalar_prefetch=2,
            grid=(NBLK,),
            in_specs=[
                pl.BlockSpec((TB, D), lambda b, be, bv: (b, 0)),
                pl.BlockSpec((1, 2 * DFF, D), lambda b, be, bv: (be[b], 0, 0)),
                pl.BlockSpec((1, D, DFF), lambda b, be, bv: (be[b], 0, 0)),
            ],
            out_specs=pl.BlockSpec((TB, D), lambda b, be, bv: (b, 0)),
        ),
        out_shape=jax.ShapeDtypeStruct((NP, D), jnp.float32),
    )(bexp1, bval1, xg, w13, w2)

    r0, r1 = _backmap(eg, pos64)

    out = pl.pallas_call(
        _add_body,
        grid=(T // tb2,),
        in_specs=[
            pl.BlockSpec((tb2, D), lambda t: (t, 0)),
            pl.BlockSpec((tb2, D), lambda t: (t, 0)),
            pl.BlockSpec((tb2, D), lambda t: (t, 0)),
            pl.BlockSpec((tb2, 1), lambda t: (t, 0)),
            pl.BlockSpec((tb2, 1), lambda t: (t, 0)),
        ],
        out_specs=pl.BlockSpec((tb2, D), lambda t: (t, 0)),
        out_shape=jax.ShapeDtypeStruct((T, D), jnp.float32),
    )(sh, r0, r1, w0c, w1c)
    return out

# --- scband reference (transcript-rebuilt; emitter-appended) ---
"""Pipeline reference for scband-deepseek-mo-e-18038862643810 (READ-ONLY COPY).

The authoritative reference and input builder live on the scoring server;
editing this copy changes nothing except your own understanding.
"""

import jax, jax.numpy as jnp
import numpy as np

T = 2048      # tokens (batch=1 * seq_len=2048)
D = 1024      # hidden_size
E = 8         # n_routed_experts
TOPK = 2      # num_experts_per_tok
DFF = 512     # moe_intermediate_size
NG = 4        # n_group
TG = 2        # topk_group
NSH = 2       # n_shared_experts
RSF = 2.5     # routed_scaling_factor


def setup_inputs(seed: int = 0) -> dict:
    key = jax.random.key(seed)
    ks = jax.random.split(key, 7)
    return {
        "hidden_states": jax.random.normal(ks[0], (T, D), dtype=jnp.float32),
        "gate_weight": jax.random.normal(ks[1], (E, D), dtype=jnp.float32) * 0.02,
        "e_score_correction_bias": jax.random.normal(ks[2], (E,), dtype=jnp.float32) * 0.01,
        "w13": jax.random.normal(ks[3], (E, 2 * DFF, D), dtype=jnp.float32) * (1.0 / np.sqrt(D)),
        "w2": jax.random.normal(ks[4], (E, D, DFF), dtype=jnp.float32) * (1.0 / np.sqrt(DFF)),
        "shared_gate_up": jax.random.normal(ks[5], (2 * DFF * NSH, D), dtype=jnp.float32) * (1.0 / np.sqrt(D)),
        "shared_down": jax.random.normal(ks[6], (D, DFF * NSH), dtype=jnp.float32) * (1.0 / np.sqrt(DFF * NSH)),
    }


def _silu(x):
    return x * jax.nn.sigmoid(x)


def reference(hidden_states, gate_weight, e_score_correction_bias, w13, w2, shared_gate_up, shared_down):
    x = hidden_states
    # MoEGate: router logits
    router_logits = x @ gate_weight.T                       # [T, E]
    # noaux_tc grouped top-k (DeepSeek-V3 style)
    scores = jax.nn.sigmoid(router_logits)                  # [T, E]
    scores_for_choice = scores + e_score_correction_bias[None, :]
    group_scores = scores_for_choice.reshape(T, NG, E // NG)
    # per-group score = sum of top-2 expert scores in group
    group_top2, _ = jax.lax.top_k(group_scores, 2)
    group_metric = group_top2.sum(axis=-1)                  # [T, NG]
    _, group_idx = jax.lax.top_k(group_metric, TG)          # [T, TG]
    group_mask = jnp.zeros((T, NG), dtype=jnp.float32).at[jnp.arange(T)[:, None], group_idx].set(1.0)
    expert_mask = jnp.repeat(group_mask, E // NG, axis=1)   # [T, E]
    masked_scores = jnp.where(expert_mask > 0, scores_for_choice, -jnp.inf)
    _, topk_idx = jax.lax.top_k(masked_scores, TOPK)        # [T, TOPK]
    topk_weights = jnp.take_along_axis(scores, topk_idx, axis=1)
    # renormalize (norm_topk_prob=True) and apply routed scaling factor
    topk_weights = topk_weights / (topk_weights.sum(axis=-1, keepdims=True) + 1e-20)
    topk_weights = topk_weights * RSF
    # combine weights scattered into dense [T, E] (scatter-add)
    combine = jnp.zeros((T, E), dtype=jnp.float32).at[jnp.arange(T)[:, None], topk_idx].add(topk_weights)
    # routed experts: gate_up -> SiluAndMul -> down, weighted combine
    gu = jnp.einsum('td,ekd->tek', x, w13)                  # [T, E, 2*DFF]
    g, u = jnp.split(gu, 2, axis=-1)
    act = _silu(g) * u                                      # [T, E, DFF]
    expert_out = jnp.einsum('tef,edf->ted', act, w2)        # [T, E, D]
    routed = jnp.einsum('ted,te->td', expert_out, combine)  # [T, D]
    # shared experts (ReplicatedDeepseekMLP, intermediate = DFF * NSH)
    sgu = x @ shared_gate_up.T
    sg, su = jnp.split(sgu, 2, axis=-1)
    shared = (_silu(sg) * su) @ shared_down.T
    return routed + shared

if __name__ == "__main__":
    import jax
    _d = setup_inputs()
    print(jax.jit(kernel)(*tuple(_d.values())))

</pallas_src>

<mosaic_0001>
#map = affine_map<(d0, d1) -> (0, 0)>
module attributes {stable_mosaic.version = 14 : i64} {
  func.func @_backmap_body(%arg0: i32, %arg1: i32, %arg2: memref<6144x1024xf32, #tpu.memory_space<hbm>>, %arg3: memref<64x64xi32, #tpu.memory_space<hbm>>, %arg4: memref<2048x1024xf32, #tpu.memory_space<hbm>>, %arg5: memref<2048x1024xf32, #tpu.memory_space<hbm>>, %arg6: memref<2x64xi32, #tpu.memory_space<vmem>>, %arg7: memref<32x1024xf32, #tpu.memory_space<vmem>>, %arg8: memref<32x1024xf32, #tpu.memory_space<vmem>>, %arg9: memref<!tpu.dma_semaphore, #tpu.memory_space<semaphore_mem>>) attributes {dimension_semantics = [#tpu.dimension_semantics<core_parallel>, #tpu.dimension_semantics<subcore_parallel>], iteration_bounds = array<i64: 2, 16>, scalar_prefetch = 0 : i64, scratch_operands = 4 : i64, tpu.core_type = #tpu.core_type<sc_vector_subcore>, window_params = [{transform_indices = #map}, {transform_indices = #map}, {transform_indices = #map}, {transform_indices = #map}]} {
    %mul3A = arith.constant 2 : i32
    %mul3A_0 = arith.muli %arg1, %mul3A : i32
    %add3A = arith.addi %mul3A_0, %arg0 : i32
    %mul3A_1 = arith.constant 64 : i32
    %mul3A_2 = arith.muli %add3A, %mul3A_1 : i32
    %run_scoped3A = arith.constant 0 : i32
    "tpu.region"() ({
      %run_scoped3A_68 = tpu.sem_alloc : memref<!tpu.dma_semaphore, #tpu.memory_space<semaphore_mem>>
      %dma_start3A_69 = arith.constant 0 : i32
      %dma_start3A_70 = tpu.memref_slice %arg6[%run_scoped3A, %dma_start3A_69] : memref<2x64xi32, #tpu.memory_space<vmem>> -> memref<1x64xi32, #tpu.memory_space<vmem>>
      %dma_start3A_71 = tpu.memref_squeeze %dma_start3A_70 : memref<1x64xi32, #tpu.memory_space<vmem>> -> memref<64xi32, #tpu.memory_space<vmem>>
      %dma_start3A_72 = arith.constant 0 : i32
      %dma_start3A_73 = tpu.memref_slice %arg3[%add3A, %dma_start3A_72] : memref<64x64xi32, #tpu.memory_space<hbm>> -> memref<1x64xi32, #tpu.memory_space<hbm>>
      %dma_start3A_74 = tpu.memref_squeeze %dma_start3A_73 : memref<1x64xi32, #tpu.memory_space<hbm>> -> memref<64xi32, #tpu.memory_space<hbm>>
      %dma_start3A_75 = arith.constant 0 : i32
      %dma_start3A_76 = tpu.memref_slice %arg6[%run_scoped3A, %dma_start3A_75] : memref<2x64xi32, #tpu.memory_space<vmem>> -> memref<1x64xi32, #tpu.memory_space<vmem>>
      %dma_start3A_77 = tpu.memref_squeeze %dma_start3A_76 : memref<1x64xi32, #tpu.memory_space<vmem>> -> memref<64xi32, #tpu.memory_space<vmem>>
      %dma_start3A_78 = arith.constant 0 : i32
      %dma_start3A_79 = tpu.memref_slice %arg3[%add3A, %dma_start3A_78] : memref<64x64xi32, #tpu.memory_space<hbm>> -> memref<1x64xi32, #tpu.memory_space<hbm>>
      %dma_start3A_80 = tpu.memref_squeeze %dma_start3A_79 : memref<1x64xi32, #tpu.memory_space<hbm>> -> memref<64xi32, #tpu.memory_space<hbm>>
      tpu.enqueue_dma source(%dma_start3A_80 : memref<64xi32, #tpu.memory_space<hbm>>) target(%dma_start3A_77 : memref<64xi32, #tpu.memory_space<vmem>>) target_semaphore(%run_scoped3A_68 : memref<!tpu.dma_semaphore, #tpu.memory_space<semaphore_mem>>)
      %dma_wait3A_81 = arith.constant 0 : i32
      %dma_wait3A_82 = tpu.memref_slice %arg6[%run_scoped3A, %dma_wait3A_81] : memref<2x64xi32, #tpu.memory_space<vmem>> -> memref<1x64xi32, #tpu.memory_space<vmem>>
      %dma_wait3A_83 = tpu.memref_squeeze %dma_wait3A_82 : memref<1x64xi32, #tpu.memory_space<vmem>> -> memref<64xi32, #tpu.memory_space<vmem>>
      %dma_wait3A_84 = arith.constant 0 : i32
      %dma_wait3A_85 = tpu.memref_slice %arg3[%add3A, %dma_wait3A_84] : memref<64x64xi32, #tpu.memory_space<hbm>> -> memref<1x64xi32, #tpu.memory_space<hbm>>
      %dma_wait3A_86 = tpu.memref_squeeze %dma_wait3A_85 : memref<1x64xi32, #tpu.memory_space<hbm>> -> memref<64xi32, #tpu.memory_space<hbm>>
      %dma_wait3A_87 = arith.constant 0 : i32
      %dma_wait3A_88 = tpu.memref_slice %arg6[%run_scoped3A, %dma_wait3A_87] : memref<2x64xi32, #tpu.memory_space<vmem>> -> memref<1x64xi32, #tpu.memory_space<vmem>>
      %dma_wait3A_89 = tpu.memref_squeeze %dma_wait3A_88 : memref<1x64xi32, #tpu.memory_space<vmem>> -> memref<64xi32, #tpu.memory_space<vmem>>
      %dma_wait3A_90 = arith.constant 0 : i32
      %dma_wait3A_91 = tpu.memref_slice %arg3[%add3A, %dma_wait3A_90] : memref<64x64xi32, #tpu.memory_space<hbm>> -> memref<1x64xi32, #tpu.memory_space<hbm>>
      %dma_wait3A_92 = tpu.memref_squeeze %dma_wait3A_91 : memref<1x64xi32, #tpu.memory_space<hbm>> -> memref<64xi32, #tpu.memory_space<hbm>>
      tpu.wait_dma2 semaphore(%run_scoped3A_68 : memref<!tpu.dma_semaphore, #tpu.memory_space<semaphore_mem>>) src(%dma_wait3A_92 : memref<64xi32, #tpu.memory_space<hbm>>) dst(%dma_wait3A_89 : memref<64xi32, #tpu.memory_space<vmem>>)
      tpu.yield
    }) : () -> ()
    %add3A_3 = arith.constant 32 : i32
    %add3A_4 = arith.addi %add3A_3, %add3A : i32
    %run_scoped3A_5 = arith.constant 1 : i32
    "tpu.region"() ({
      %run_scoped3A_68 = tpu.sem_alloc : memref<!tpu.dma_semaphore, #tpu.memory_space<semaphore_mem>>
      %dma_start3A_69 = arith.constant 0 : i32
      %dma_start3A_70 = tpu.memref_slice %arg6[%run_scoped3A_5, %dma_start3A_69] : memref<2x64xi32, #tpu.memory_space<vmem>> -> memref<1x64xi32, #tpu.memory_space<vmem>>
      %dma_start3A_71 = tpu.memref_squeeze %dma_start3A_70 : memref<1x64xi32, #tpu.memory_space<vmem>> -> memref<64xi32, #tpu.memory_space<vmem>>
      %dma_start3A_72 = arith.constant 0 : i32
      %dma_start3A_73 = tpu.memref_slice %arg3[%add3A_4, %dma_start3A_72] : memref<64x64xi32, #tpu.memory_space<hbm>> -> memref<1x64xi32, #tpu.memory_space<hbm>>
      %dma_start3A_74 = tpu.memref_squeeze %dma_start3A_73 : memref<1x64xi32, #tpu.memory_space<hbm>> -> memref<64xi32, #tpu.memory_space<hbm>>
      %dma_start3A_75 = arith.constant 0 : i32
      %dma_start3A_76 = tpu.memref_slice %arg6[%run_scoped3A_5, %dma_start3A_75] : memref<2x64xi32, #tpu.memory_space<vmem>> -> memref<1x64xi32, #tpu.memory_space<vmem>>
      %dma_start3A_77 = tpu.memref_squeeze %dma_start3A_76 : memref<1x64xi32, #tpu.memory_space<vmem>> -> memref<64xi32, #tpu.memory_space<vmem>>
      %dma_start3A_78 = arith.constant 0 : i32
      %dma_start3A_79 = tpu.memref_slice %arg3[%add3A_4, %dma_start3A_78] : memref<64x64xi32, #tpu.memory_space<hbm>> -> memref<1x64xi32, #tpu.memory_space<hbm>>
      %dma_start3A_80 = tpu.memref_squeeze %dma_start3A_79 : memref<1x64xi32, #tpu.memory_space<hbm>> -> memref<64xi32, #tpu.memory_space<hbm>>
      tpu.enqueue_dma source(%dma_start3A_80 : memref<64xi32, #tpu.memory_space<hbm>>) target(%dma_start3A_77 : memref<64xi32, #tpu.memory_space<vmem>>) target_semaphore(%run_scoped3A_68 : memref<!tpu.dma_semaphore, #tpu.memory_space<semaphore_mem>>)
      %dma_wait3A_81 = arith.constant 0 : i32
      %dma_wait3A_82 = tpu.memref_slice %arg6[%run_scoped3A_5, %dma_wait3A_81] : memref<2x64xi32, #tpu.memory_space<vmem>> -> memref<1x64xi32, #tpu.memory_space<vmem>>
      %dma_wait3A_83 = tpu.memref_squeeze %dma_wait3A_82 : memref<1x64xi32, #tpu.memory_space<vmem>> -> memref<64xi32, #tpu.memory_space<vmem>>
      %dma_wait3A_84 = arith.constant 0 : i32
      %dma_wait3A_85 = tpu.memref_slice %arg3[%add3A_4, %dma_wait3A_84] : memref<64x64xi32, #tpu.memory_space<hbm>> -> memref<1x64xi32, #tpu.memory_space<hbm>>
      %dma_wait3A_86 = tpu.memref_squeeze %dma_wait3A_85 : memref<1x64xi32, #tpu.memory_space<hbm>> -> memref<64xi32, #tpu.memory_space<hbm>>
      %dma_wait3A_87 = arith.constant 0 : i32
      %dma_wait3A_88 = tpu.memref_slice %arg6[%run_scoped3A_5, %dma_wait3A_87] : memref<2x64xi32, #tpu.memory_space<vmem>> -> memref<1x64xi32, #tpu.memory_space<vmem>>
      %dma_wait3A_89 = tpu.memref_squeeze %dma_wait3A_88 : memref<1x64xi32, #tpu.memory_space<vmem>> -> memref<64xi32, #tpu.memory_space<vmem>>
      %dma_wait3A_90 = arith.constant 0 : i32
      %dma_wait3A_91 = tpu.memref_slice %arg3[%add3A_4, %dma_wait3A_90] : memref<64x64xi32, #tpu.memory_space<hbm>> -> memref<1x64xi32, #tpu.memory_space<hbm>>
      %dma_wait3A_92 = tpu.memref_squeeze %dma_wait3A_91 : memref<1x64xi32, #tpu.memory_space<hbm>> -> memref<64xi32, #tpu.memory_space<hbm>>
      tpu.wait_dma2 semaphore(%run_scoped3A_68 : memref<!tpu.dma_semaphore, #tpu.memory_space<semaphore_mem>>) src(%dma_wait3A_92 : memref<64xi32, #tpu.memory_space<hbm>>) dst(%dma_wait3A_89 : memref<64xi32, #tpu.memory_space<vmem>>)
      tpu.yield
    }) : () -> ()
    %dma_start3A = arith.constant 0 : i32
    %dma_start3A_6 = arith.constant 0 : i32
    %dma_start3A_7 = tpu.memref_slice %arg6[%dma_start3A, %dma_start3A_6] : memref<2x64xi32, #tpu.memory_space<vmem>> -> memref<1x32xi32, #tpu.memory_space<vmem>>
    %dma_start3A_8 = tpu.memref_squeeze %dma_start3A_7 : memref<1x32xi32, #tpu.memory_space<vmem>> -> memref<32xi32, #tpu.memory_space<vmem>>
    %dma_start3A_9 = arith.constant 0 : i32
    %dma_start3A_10 = arith.constant 0 : i32
    %dma_start3A_11 = tpu.memref_slice %arg2[%dma_start3A_9, %dma_start3A_10] : memref<6144x1024xf32, #tpu.memory_space<hbm>> -> memref<6144x1024xf32, #tpu.memory_space<hbm>>
    tpu.enqueue_indirect_dma source(%dma_start3A_11 : memref<6144x1024xf32, #tpu.memory_space<hbm>>) target(%arg7 : memref<32x1024xf32, #tpu.memory_space<vmem>>) offsets(%dma_start3A_8 : memref<32xi32, #tpu.memory_space<vmem>>) semaphore(%arg9 : memref<!tpu.dma_semaphore, #tpu.memory_space<semaphore_mem>>)
    %dma_start3A_12 = arith.constant 1 : i32
    %dma_start3A_13 = arith.constant 0 : i32
    %dma_start3A_14 = tpu.memref_slice %arg6[%dma_start3A_12, %dma_start3A_13] : memref<2x64xi32, #tpu.memory_space<vmem>> -> memref<1x32xi32, #tpu.memory_space<vmem>>
    %dma_start3A_15 = tpu.memref_squeeze %dma_start3A_14 : memref<1x32xi32, #tpu.memory_space<vmem>> -> memref<32xi32, #tpu.memory_space<vmem>>
    %dma_start3A_16 = arith.constant 0 : i32
    %dma_start3A_17 = arith.constant 0 : i32
    %dma_start3A_18 = tpu.memref_slice %arg2[%dma_start3A_16, %dma_start3A_17] : memref<6144x1024xf32, #tpu.memory_space<hbm>> -> memref<6144x1024xf32, #tpu.memory_space<hbm>>
    tpu.enqueue_indirect_dma source(%dma_start3A_18 : memref<6144x1024xf32, #tpu.memory_space<hbm>>) target(%arg8 : memref<32x1024xf32, #tpu.memory_space<vmem>>) offsets(%dma_start3A_15 : memref<32xi32, #tpu.memory_space<vmem>>) semaphore(%arg9 : memref<!tpu.dma_semaphore, #tpu.memory_space<semaphore_mem>>)
    %dma_wait3A = arith.constant 0 : i32
    %dma_wait3A_19 = arith.constant 0 : i32
    %dma_wait3A_20 = tpu.memref_slice %arg6[%dma_wait3A, %dma_wait3A_19] : memref<2x64xi32, #tpu.memory_space<vmem>> -> memref<1x32xi32, #tpu.memory_space<vmem>>
    %dma_wait3A_21 = tpu.memref_squeeze %dma_wait3A_20 : memref<1x32xi32, #tpu.memory_space<vmem>> -> memref<32xi32, #tpu.memory_space<vmem>>
    %dma_wait3A_22 = arith.constant 0 : i32
    %dma_wait3A_23 = arith.constant 0 : i32
    %dma_wait3A_24 = tpu.memref_slice %arg2[%dma_wait3A_22, %dma_wait3A_23] : memref<6144x1024xf32, #tpu.memory_space<hbm>> -> memref<6144x1024xf32, #tpu.memory_space<hbm>>
    tpu.wait_indirect_dma semaphore(%arg9 : memref<!tpu.dma_semaphore, #tpu.memory_space<semaphore_mem>>) src(%dma_wait3A_24 : memref<6144x1024xf32, #tpu.memory_space<hbm>>) dst(%arg7 : memref<32x1024xf32, #tpu.memory_space<vmem>>)
    %dma_wait3A_25 = arith.constant 1 : i32
    %dma_wait3A_26 = arith.constant 0 : i32
    %dma_wait3A_27 = tpu.memref_slice %arg6[%dma_wait3A_25, %dma_wait3A_26] : memref<2x64xi32, #tpu.memory_space<vmem>> -> memref<1x32xi32, #tpu.memory_space<vmem>>
    %dma_wait3A_28 = tpu.memref_squeeze %dma_wait3A_27 : memref<1x32xi32, #tpu.memory_space<vmem>> -> memref<32xi32, #tpu.memory_space<vmem>>
    %dma_wait3A_29 = arith.constant 0 : i32
    %dma_wait3A_30 = arith.constant 0 : i32
    %dma_wait3A_31 = tpu.memref_slice %arg2[%dma_wait3A_29, %dma_wait3A_30] : memref<6144x1024xf32, #tpu.memory_space<hbm>> -> memref<6144x1024xf32, #tpu.memory_space<hbm>>
    tpu.wait_indirect_dma semaphore(%arg9 : memref<!tpu.dma_semaphore, #tpu.memory_space<semaphore_mem>>) src(%dma_wait3A_31 : memref<6144x1024xf32, #tpu.memory_space<hbm>>) dst(%arg8 : memref<32x1024xf32, #tpu.memory_space<vmem>>)
    %add3A_32 = arith.constant 0 : i32
    %add3A_33 = arith.addi %mul3A_2, %add3A_32 : i32
    "tpu.region"() ({
      %run_scoped3A_68 = tpu.sem_alloc : memref<!tpu.dma_semaphore, #tpu.memory_space<semaphore_mem>>
      %dma_start3A_69 = arith.constant 0 : i32
      %dma_start3A_70 = tpu.memref_slice %arg4[%add3A_33, %dma_start3A_69] : memref<2048x1024xf32, #tpu.memory_space<hbm>> -> memref<32x1024xf32, #tpu.memory_space<hbm>>
      %dma_start3A_71 = arith.constant 0 : i32
      %dma_start3A_72 = tpu.memref_slice %arg4[%add3A_33, %dma_start3A_71] : memref<2048x1024xf32, #tpu.memory_space<hbm>> -> memref<32x1024xf32, #tpu.memory_space<hbm>>
      tpu.enqueue_dma source(%arg7 : memref<32x1024xf32, #tpu.memory_space<vmem>>) target(%dma_start3A_72 : memref<32x1024xf32, #tpu.memory_space<hbm>>) target_semaphore(%run_scoped3A_68 : memref<!tpu.dma_semaphore, #tpu.memory_space<semaphore_mem>>)
      %dma_wait3A_73 = arith.constant 0 : i32
      %dma_wait3A_74 = tpu.memref_slice %arg4[%add3A_33, %dma_wait3A_73] : memref<2048x1024xf32, #tpu.memory_space<hbm>> -> memref<32x1024xf32, #tpu.memory_space<hbm>>
      %dma_wait3A_75 = arith.constant 0 : i32
      %dma_wait3A_76 = tpu.memref_slice %arg4[%add3A_33, %dma_wait3A_75] : memref<2048x1024xf32, #tpu.memory_space<hbm>> -> memref<32x1024xf32, #tpu.memory_space<hbm>>
      tpu.wait_dma2 semaphore(%run_scoped3A_68 : memref<!tpu.dma_semaphore, #tpu.memory_space<semaphore_mem>>) src(%arg7 : memref<32x1024xf32, #tpu.memory_space<vmem>>) dst(%dma_wait3A_76 : memref<32x1024xf32, #tpu.memory_space<hbm>>)
      tpu.yield
    }) : () -> ()
    %add3A_34 = arith.constant 0 : i32
    %add3A_35 = arith.addi %mul3A_2, %add3A_34 : i32
    "tpu.region"() ({
      %run_scoped3A_68 = tpu.sem_alloc : memref<!tpu.dma_semaphore, #tpu.memory_space<semaphore_mem>>
      %dma_start3A_69 = arith.constant 0 : i32
      %dma_start3A_70 = tpu.memref_slice %arg5[%add3A_35, %dma_start3A_69] : memref<2048x1024xf32, #tpu.memory_space<hbm>> -> memref<32x1024xf32, #tpu.memory_space<hbm>>
      %dma_start3A_71 = arith.constant 0 : i32
      %dma_start3A_72 = tpu.memref_slice %arg5[%add3A_35, %dma_start3A_71] : memref<2048x1024xf32, #tpu.memory_space<hbm>> -> memref<32x1024xf32, #tpu.memory_space<hbm>>
      tpu.enqueue_dma source(%arg8 : memref<32x1024xf32, #tpu.memory_space<vmem>>) target(%dma_start3A_72 : memref<32x1024xf32, #tpu.memory_space<hbm>>) target_semaphore(%run_scoped3A_68 : memref<!tpu.dma_semaphore, #tpu.memory_space<semaphore_mem>>)
      %dma_wait3A_73 = arith.constant 0 : i32
      %dma_wait3A_74 = tpu.memref_slice %arg5[%add3A_35, %dma_wait3A_73] : memref<2048x1024xf32, #tpu.memory_space<hbm>> -> memref<32x1024xf32, #tpu.memory_space<hbm>>
      %dma_wait3A_75 = arith.constant 0 : i32
      %dma_wait3A_76 = tpu.memref_slice %arg5[%add3A_35, %dma_wait3A_75] : memref<2048x1024xf32, #tpu.memory_space<hbm>> -> memref<32x1024xf32, #tpu.memory_space<hbm>>
      tpu.wait_dma2 semaphore(%run_scoped3A_68 : memref<!tpu.dma_semaphore, #tpu.memory_space<semaphore_mem>>) src(%arg8 : memref<32x1024xf32, #tpu.memory_space<vmem>>) dst(%dma_wait3A_76 : memref<32x1024xf32, #tpu.memory_space<hbm>>)
      tpu.yield
    }) : () -> ()
    %dma_start3A_36 = arith.constant 0 : i32
    %dma_start3A_37 = arith.constant 32 : i32
    %dma_start3A_38 = tpu.memref_slice %arg6[%dma_start3A_36, %dma_start3A_37] : memref<2x64xi32, #tpu.memory_space<vmem>> -> memref<1x32xi32, #tpu.memory_space<vmem>>
    %dma_start3A_39 = tpu.memref_squeeze %dma_start3A_38 : memref<1x32xi32, #tpu.memory_space<vmem>> -> memref<32xi32, #tpu.memory_space<vmem>>
    %dma_start3A_40 = arith.constant 0 : i32
    %dma_start3A_41 = arith.constant 0 : i32
    %dma_start3A_42 = tpu.memref_slice %arg2[%dma_start3A_40, %dma_start3A_41] : memref<6144x1024xf32, #tpu.memory_space<hbm>> -> memref<6144x1024xf32, #tpu.memory_space<hbm>>
    tpu.enqueue_indirect_dma source(%dma_start3A_42 : memref<6144x1024xf32, #tpu.memory_space<hbm>>) target(%arg7 : memref<32x1024xf32, #tpu.memory_space<vmem>>) offsets(%dma_start3A_39 : memref<32xi32, #tpu.memory_space<vmem>>) semaphore(%arg9 : memref<!tpu.dma_semaphore, #tpu.memory_space<semaphore_mem>>)
    %dma_start3A_43 = arith.constant 1 : i32
    %dma_start3A_44 = arith.constant 32 : i32
    %dma_start3A_45 = tpu.memref_slice %arg6[%dma_start3A_43, %dma_start3A_44] : memref<2x64xi32, #tpu.memory_space<vmem>> -> memref<1x32xi32, #tpu.memory_space<vmem>>
    %dma_start3A_46 = tpu.memref_squeeze %dma_start3A_45 : memref<1x32xi32, #tpu.memory_space<vmem>> -> memref<32xi32, #tpu.memory_space<vmem>>
    %dma_start3A_47 = arith.constant 0 : i32
    %dma_start3A_48 = arith.constant 0 : i32
    %dma_start3A_49 = tpu.memref_slice %arg2[%dma_start3A_47, %dma_start3A_48] : memref<6144x1024xf32, #tpu.memory_space<hbm>> -> memref<6144x1024xf32, #tpu.memory_space<hbm>>
    tpu.enqueue_indirect_dma source(%dma_start3A_49 : memref<6144x1024xf32, #tpu.memory_space<hbm>>) target(%arg8 : memref<32x1024xf32, #tpu.memory_space<vmem>>) offsets(%dma_start3A_46 : memref<32xi32, #tpu.memory_space<vmem>>) semaphore(%arg9 : memref<!tpu.dma_semaphore, #tpu.memory_space<semaphore_mem>>)
    %dma_wait3A_50 = arith.constant 0 : i32
    %dma_wait3A_51 = arith.constant 32 : i32
    %dma_wait3A_52 = tpu.memref_slice %arg6[%dma_wait3A_50, %dma_wait3A_51] : memref<2x64xi32, #tpu.memory_space<vmem>> -> memref<1x32xi32, #tpu.memory_space<vmem>>
    %dma_wait3A_53 = tpu.memref_squeeze %dma_wait3A_52 : memref<1x32xi32, #tpu.memory_space<vmem>> -> memref<32xi32, #tpu.memory_space<vmem>>
    %dma_wait3A_54 = arith.constant 0 : i32
    %dma_wait3A_55 = arith.constant 0 : i32
    %dma_wait3A_56 = tpu.memref_slice %arg2[%dma_wait3A_54, %dma_wait3A_55] : memref<6144x1024xf32, #tpu.memory_space<hbm>> -> memref<6144x1024xf32, #tpu.memory_space<hbm>>
    tpu.wait_indirect_dma semaphore(%arg9 : memref<!tpu.dma_semaphore, #tpu.memory_space<semaphore_mem>>) src(%dma_wait3A_56 : memref<6144x1024xf32, #tpu.memory_space<hbm>>) dst(%arg7 : memref<32x1024xf32, #tpu.memory_space<vmem>>)
    %dma_wait3A_57 = arith.constant 1 : i32
    %dma_wait3A_58 = arith.constant 32 : i32
    %dma_wait3A_59 = tpu.memref_slice %arg6[%dma_wait3A_57, %dma_wait3A_58] : memref<2x64xi32, #tpu.memory_space<vmem>> -> memref<1x32xi32, #tpu.memory_space<vmem>>
    %dma_wait3A_60 = tpu.memref_squeeze %dma_wait3A_59 : memref<1x32xi32, #tpu.memory_space<vmem>> -> memref<32xi32, #tpu.memory_space<vmem>>
    %dma_wait3A_61 = arith.constant 0 : i32
    %dma_wait3A_62 = arith.constant 0 : i32
    %dma_wait3A_63 = tpu.memref_slice %arg2[%dma_wait3A_61, %dma_wait3A_62] : memref<6144x1024xf32, #tpu.memory_space<hbm>> -> memref<6144x1024xf32, #tpu.memory_space<hbm>>
    tpu.wait_indirect_dma semaphore(%arg9 : memref<!tpu.dma_semaphore, #tpu.memory_space<semaphore_mem>>) src(%dma_wait3A_63 : memref<6144x1024xf32, #tpu.memory_space<hbm>>) dst(%arg8 : memref<32x1024xf32, #tpu.memory_space<vmem>>)
    %add3A_64 = arith.constant 32 : i32
    %add3A_65 = arith.addi %mul3A_2, %add3A_64 : i32
    "tpu.region"() ({
      %run_scoped3A_68 = tpu.sem_alloc : memref<!tpu.dma_semaphore, #tpu.memory_space<semaphore_mem>>
      %dma_start3A_69 = arith.constant 0 : i32
      %dma_start3A_70 = tpu.memref_slice %arg4[%add3A_65, %dma_start3A_69] : memref<2048x1024xf32, #tpu.memory_space<hbm>> -> memref<32x1024xf32, #tpu.memory_space<hbm>>
      %dma_start3A_71 = arith.constant 0 : i32
      %dma_start3A_72 = tpu.memref_slice %arg4[%add3A_65, %dma_start3A_71] : memref<2048x1024xf32, #tpu.memory_space<hbm>> -> memref<32x1024xf32, #tpu.memory_space<hbm>>
      tpu.enqueue_dma source(%arg7 : memref<32x1024xf32, #tpu.memory_space<vmem>>) target(%dma_start3A_72 : memref<32x1024xf32, #tpu.memory_space<hbm>>) target_semaphore(%run_scoped3A_68 : memref<!tpu.dma_semaphore, #tpu.memory_space<semaphore_mem>>)
      %dma_wait3A_73 = arith.constant 0 : i32
      %dma_wait3A_74 = tpu.memref_slice %arg4[%add3A_65, %dma_wait3A_73] : memref<2048x1024xf32, #tpu.memory_space<hbm>> -> memref<32x1024xf32, #tpu.memory_space<hbm>>
      %dma_wait3A_75 = arith.constant 0 : i32
      %dma_wait3A_76 = tpu.memref_slice %arg4[%add3A_65, %dma_wait3A_75] : memref<2048x1024xf32, #tpu.memory_space<hbm>> -> memref<32x1024xf32, #tpu.memory_space<hbm>>
      tpu.wait_dma2 semaphore(%run_scoped3A_68 : memref<!tpu.dma_semaphore, #tpu.memory_space<semaphore_mem>>) src(%arg7 : memref<32x1024xf32, #tpu.memory_space<vmem>>) dst(%dma_wait3A_76 : memref<32x1024xf32, #tpu.memory_space<hbm>>)
      tpu.yield
    }) : () -> ()
    %add3A_66 = arith.constant 32 : i32
    %add3A_67 = arith.addi %mul3A_2, %add3A_66 : i32
    "tpu.region"() ({
      %run_scoped3A_68 = tpu.sem_alloc : memref<!tpu.dma_semaphore, #tpu.memory_space<semaphore_mem>>
      %dma_start3A_69 = arith.constant 0 : i32
      %dma_start3A_70 = tpu.memref_slice %arg5[%add3A_67, %dma_start3A_69] : memref<2048x1024xf32, #tpu.memory_space<hbm>> -> memref<32x1024xf32, #tpu.memory_space<hbm>>
      %dma_start3A_71 = arith.constant 0 : i32
      %dma_start3A_72 = tpu.memref_slice %arg5[%add3A_67, %dma_start3A_71] : memref<2048x1024xf32, #tpu.memory_space<hbm>> -> memref<32x1024xf32, #tpu.memory_space<hbm>>
      tpu.enqueue_dma source(%arg8 : memref<32x1024xf32, #tpu.memory_space<vmem>>) target(%dma_start3A_72 : memref<32x1024xf32, #tpu.memory_space<hbm>>) target_semaphore(%run_scoped3A_68 : memref<!tpu.dma_semaphore, #tpu.memory_space<semaphore_mem>>)
      %dma_wait3A_73 = arith.constant 0 : i32
      %dma_wait3A_74 = tpu.memref_slice %arg5[%add3A_67, %dma_wait3A_73] : memref<2048x1024xf32, #tpu.memory_space<hbm>> -> memref<32x1024xf32, #tpu.memory_space<hbm>>
      %dma_wait3A_75 = arith.constant 0 : i32
      %dma_wait3A_76 = tpu.memref_slice %arg5[%add3A_67, %dma_wait3A_75] : memref<2048x1024xf32, #tpu.memory_space<hbm>> -> memref<32x1024xf32, #tpu.memory_space<hbm>>
      tpu.wait_dma2 semaphore(%run_scoped3A_68 : memref<!tpu.dma_semaphore, #tpu.memory_space<semaphore_mem>>) src(%arg8 : memref<32x1024xf32, #tpu.memory_space<vmem>>) dst(%dma_wait3A_76 : memref<32x1024xf32, #tpu.memory_space<hbm>>)
      tpu.yield
    }) : () -> ()
    return
  }
}

#map = affine_map<(d0, d1) -> (0, 0)>
module attributes {stable_mosaic.version = 14 : i64} {
  func.func @_dispatch_body(%arg0: i32, %arg1: i32, %arg2: memref<2048x1024xf32, #tpu.memory_space<hbm>>, %arg3: memref<64x64xi32, #tpu.memory_space<hbm>>, %arg4: memref<6144x1024xf32, #tpu.memory_space<hbm>>, %arg5: memref<2x64xi32, #tpu.memory_space<vmem>>, %arg6: memref<64x1024xf32, #tpu.memory_space<vmem>>, %arg7: memref<!tpu.dma_semaphore, #tpu.memory_space<semaphore_mem>>) attributes {dimension_semantics = [#tpu.dimension_semantics<core_parallel>, #tpu.dimension_semantics<subcore_parallel>], iteration_bounds = array<i64: 2, 16>, scalar_prefetch = 0 : i64, scratch_operands = 3 : i64, tpu.core_type = #tpu.core_type<sc_vector_subcore>, window_params = [{transform_indices = #map}, {transform_indices = #map}, {transform_indices = #map}]} {
    %mul3A = arith.constant 2 : i32
    %mul3A_0 = arith.muli %arg1, %mul3A : i32
    %add3A = arith.addi %mul3A_0, %arg0 : i32
    %mul3A_1 = arith.constant 128 : i32
    %mul3A_2 = arith.muli %add3A, %mul3A_1 : i32
    %jit3A = arith.constant 2048 : i32
    %eq3A = arith.constant 0 : i32
    %eq3A_3 = arith.cmpi eq, %jit3A, %eq3A : i32
    %jit3A_4 = arith.constant 1 : i32
    %select_n3A = arith.select %eq3A_3, %jit3A_4, %jit3A : i32
    %rem3A = arith.remsi %mul3A_2, %select_n3A : i32
    %ne3A = arith.constant 0 : i32
    %ne3A_5 = arith.cmpi ne, %rem3A, %ne3A : i32
    %lt3A = arith.constant 0 : i32
    %lt3A_6 = arith.cmpi slt, %rem3A, %lt3A : i32
    %lt3A_7 = arith.constant 0 : i32
    %lt3A_8 = arith.cmpi slt, %select_n3A, %lt3A_7 : i32
    %ne3A_9 = arith.xori %lt3A_6, %lt3A_8 : i1
    %and3A = arith.andi %ne3A_9, %ne3A_5 : i1
    %add3A_10 = arith.addi %rem3A, %select_n3A : i32
    %select_n3A_11 = arith.select %and3A, %add3A_10, %rem3A : i32
    %mul3A_12 = arith.constant 2 : i32
    %mul3A_13 = arith.muli %add3A, %mul3A_12 : i32
    "tpu.region"() ({
      %run_scoped3A = tpu.sem_alloc : memref<!tpu.dma_semaphore, #tpu.memory_space<semaphore_mem>>
      %dma_start3A_44 = arith.constant 0 : i32
      %dma_start3A_45 = tpu.memref_slice %arg3[%mul3A_13, %dma_start3A_44] : memref<64x64xi32, #tpu.memory_space<hbm>> -> memref<2x64xi32, #tpu.memory_space<hbm>>
      %dma_start3A_46 = arith.constant 0 : i32
      %dma_start3A_47 = tpu.memref_slice %arg3[%mul3A_13, %dma_start3A_46] : memref<64x64xi32, #tpu.memory_space<hbm>> -> memref<2x64xi32, #tpu.memory_space<hbm>>
      tpu.enqueue_dma source(%dma_start3A_47 : memref<2x64xi32, #tpu.memory_space<hbm>>) target(%arg5 : memref<2x64xi32, #tpu.memory_space<vmem>>) target_semaphore(%run_scoped3A : memref<!tpu.dma_semaphore, #tpu.memory_space<semaphore_mem>>)
      %dma_wait3A_48 = arith.constant 0 : i32
      %dma_wait3A_49 = tpu.memref_slice %arg3[%mul3A_13, %dma_wait3A_48] : memref<64x64xi32, #tpu.memory_space<hbm>> -> memref<2x64xi32, #tpu.memory_space<hbm>>
      %dma_wait3A_50 = arith.constant 0 : i32
      %dma_wait3A_51 = tpu.memref_slice %arg3[%mul3A_13, %dma_wait3A_50] : memref<64x64xi32, #tpu.memory_space<hbm>> -> memref<2x64xi32, #tpu.memory_space<hbm>>
      tpu.wait_dma2 semaphore(%run_scoped3A : memref<!tpu.dma_semaphore, #tpu.memory_space<semaphore_mem>>) src(%dma_wait3A_51 : memref<2x64xi32, #tpu.memory_space<hbm>>) dst(%arg5 : memref<2x64xi32, #tpu.memory_space<vmem>>)
      tpu.yield
    }) : () -> ()
    %add3A_14 = arith.constant 0 : i32
    %add3A_15 = arith.addi %select_n3A_11, %add3A_14 : i32
    "tpu.region"() ({
      %run_scoped3A = tpu.sem_alloc : memref<!tpu.dma_semaphore, #tpu.memory_space<semaphore_mem>>
      %dma_start3A_44 = arith.constant 0 : i32
      %dma_start3A_45 = tpu.memref_slice %arg2[%add3A_15, %dma_start3A_44] : memref<2048x1024xf32, #tpu.memory_space<hbm>> -> memref<64x1024xf32, #tpu.memory_space<hbm>>
      %dma_start3A_46 = arith.constant 0 : i32
      %dma_start3A_47 = tpu.memref_slice %arg2[%add3A_15, %dma_start3A_46] : memref<2048x1024xf32, #tpu.memory_space<hbm>> -> memref<64x1024xf32, #tpu.memory_space<hbm>>
      tpu.enqueue_dma source(%dma_start3A_47 : memref<64x1024xf32, #tpu.memory_space<hbm>>) target(%arg6 : memref<64x1024xf32, #tpu.memory_space<vmem>>) target_semaphore(%run_scoped3A : memref<!tpu.dma_semaphore, #tpu.memory_space<semaphore_mem>>)
      %dma_wait3A_48 = arith.constant 0 : i32
      %dma_wait3A_49 = tpu.memref_slice %arg2[%add3A_15, %dma_wait3A_48] : memref<2048x1024xf32, #tpu.memory_space<hbm>> -> memref<64x1024xf32, #tpu.memory_space<hbm>>
      %dma_wait3A_50 = arith.constant 0 : i32
      %dma_wait3A_51 = tpu.memref_slice %arg2[%add3A_15, %dma_wait3A_50] : memref<2048x1024xf32, #tpu.memory_space<hbm>> -> memref<64x1024xf32, #tpu.memory_space<hbm>>
      tpu.wait_dma2 semaphore(%run_scoped3A : memref<!tpu.dma_semaphore, #tpu.memory_space<semaphore_mem>>) src(%dma_wait3A_51 : memref<64x1024xf32, #tpu.memory_space<hbm>>) dst(%arg6 : memref<64x1024xf32, #tpu.memory_space<vmem>>)
      tpu.yield
    }) : () -> ()
    %dma_start3A = arith.constant 0 : i32
    %dma_start3A_16 = arith.constant 0 : i32
    %dma_start3A_17 = tpu.memref_slice %arg5[%dma_start3A, %dma_start3A_16] : memref<2x64xi32, #tpu.memory_space<vmem>> -> memref<1x64xi32, #tpu.memory_space<vmem>>
    %dma_start3A_18 = tpu.memref_squeeze %dma_start3A_17 : memref<1x64xi32, #tpu.memory_space<vmem>> -> memref<64xi32, #tpu.memory_space<vmem>>
    %dma_start3A_19 = arith.constant 0 : i32
    %dma_start3A_20 = arith.constant 0 : i32
    %dma_start3A_21 = tpu.memref_slice %arg4[%dma_start3A_19, %dma_start3A_20] : memref<6144x1024xf32, #tpu.memory_space<hbm>> -> memref<6144x1024xf32, #tpu.memory_space<hbm>>
    tpu.enqueue_indirect_dma source(%arg6 : memref<64x1024xf32, #tpu.memory_space<vmem>>) target(%dma_start3A_21 : memref<6144x1024xf32, #tpu.memory_space<hbm>>) offsets(%dma_start3A_18 : memref<64xi32, #tpu.memory_space<vmem>>) semaphore(%arg7 : memref<!tpu.dma_semaphore, #tpu.memory_space<semaphore_mem>>)
    %dma_wait3A = arith.constant 0 : i32
    %dma_wait3A_22 = arith.constant 0 : i32
    %dma_wait3A_23 = tpu.memref_slice %arg5[%dma_wait3A, %dma_wait3A_22] : memref<2x64xi32, #tpu.memory_space<vmem>> -> memref<1x64xi32, #tpu.memory_space<vmem>>
    %dma_wait3A_24 = tpu.memref_squeeze %dma_wait3A_23 : memref<1x64xi32, #tpu.memory_space<vmem>> -> memref<64xi32, #tpu.memory_space<vmem>>
    %dma_wait3A_25 = arith.constant 0 : i32
    %dma_wait3A_26 = arith.constant 0 : i32
    %dma_wait3A_27 = tpu.memref_slice %arg4[%dma_wait3A_25, %dma_wait3A_26] : memref<6144x1024xf32, #tpu.memory_space<hbm>> -> memref<6144x1024xf32, #tpu.memory_space<hbm>>
    tpu.wait_indirect_dma semaphore(%arg7 : memref<!tpu.dma_semaphore, #tpu.memory_space<semaphore_mem>>) src(%arg6 : memref<64x1024xf32, #tpu.memory_space<vmem>>) dst(%dma_wait3A_27 : memref<6144x1024xf32, #tpu.memory_space<hbm>>)
    %add3A_28 = arith.constant 64 : i32
    %add3A_29 = arith.addi %select_n3A_11, %add3A_28 : i32
    "tpu.region"() ({
      %run_scoped3A = tpu.sem_alloc : memref<!tpu.dma_semaphore, #tpu.memory_space<semaphore_mem>>
      %dma_start3A_44 = arith.constant 0 : i32
      %dma_start3A_45 = tpu.memref_slice %arg2[%add3A_29, %dma_start3A_44] : memref<2048x1024xf32, #tpu.memory_space<hbm>> -> memref<64x1024xf32, #tpu.memory_space<hbm>>
      %dma_start3A_46 = arith.constant 0 : i32
      %dma_start3A_47 = tpu.memref_slice %arg2[%add3A_29, %dma_start3A_46] : memref<2048x1024xf32, #tpu.memory_space<hbm>> -> memref<64x1024xf32, #tpu.memory_space<hbm>>
      tpu.enqueue_dma source(%dma_start3A_47 : memref<64x1024xf32, #tpu.memory_space<hbm>>) target(%arg6 : memref<64x1024xf32, #tpu.memory_space<vmem>>) target_semaphore(%run_scoped3A : memref<!tpu.dma_semaphore, #tpu.memory_space<semaphore_mem>>)
      %dma_wait3A_48 = arith.constant 0 : i32
      %dma_wait3A_49 = tpu.memref_slice %arg2[%add3A_29, %dma_wait3A_48] : memref<2048x1024xf32, #tpu.memory_space<hbm>> -> memref<64x1024xf32, #tpu.memory_space<hbm>>
      %dma_wait3A_50 = arith.constant 0 : i32
      %dma_wait3A_51 = tpu.memref_slice %arg2[%add3A_29, %dma_wait3A_50] : memref<2048x1024xf32, #tpu.memory_space<hbm>> -> memref<64x1024xf32, #tpu.memory_space<hbm>>
      tpu.wait_dma2 semaphore(%run_scoped3A : memref<!tpu.dma_semaphore, #tpu.memory_space<semaphore_mem>>) src(%dma_wait3A_51 : memref<64x1024xf32, #tpu.memory_space<hbm>>) dst(%arg6 : memref<64x1024xf32, #tpu.memory_space<vmem>>)
      tpu.yield
    }) : () -> ()
    %dma_start3A_30 = arith.constant 1 : i32
    %dma_start3A_31 = arith.constant 0 : i32
    %dma_start3A_32 = tpu.memref_slice %arg5[%dma_start3A_30, %dma_start3A_31] : memref<2x64xi32, #tpu.memory_space<vmem>> -> memref<1x64xi32, #tpu.memory_space<vmem>>
    %dma_start3A_33 = tpu.memref_squeeze %dma_start3A_32 : memref<1x64xi32, #tpu.memory_space<vmem>> -> memref<64xi32, #tpu.memory_space<vmem>>
    %dma_start3A_34 = arith.constant 0 : i32
    %dma_start3A_35 = arith.constant 0 : i32
    %dma_start3A_36 = tpu.memref_slice %arg4[%dma_start3A_34, %dma_start3A_35] : memref<6144x1024xf32, #tpu.memory_space<hbm>> -> memref<6144x1024xf32, #tpu.memory_space<hbm>>
    tpu.enqueue_indirect_dma source(%arg6 : memref<64x1024xf32, #tpu.memory_space<vmem>>) target(%dma_start3A_36 : memref<6144x1024xf32, #tpu.memory_space<hbm>>) offsets(%dma_start3A_33 : memref<64xi32, #tpu.memory_space<vmem>>) semaphore(%arg7 : memref<!tpu.dma_semaphore, #tpu.memory_space<semaphore_mem>>)
    %dma_wait3A_37 = arith.constant 1 : i32
    %dma_wait3A_38 = arith.constant 0 : i32
    %dma_wait3A_39 = tpu.memref_slice %arg5[%dma_wait3A_37, %dma_wait3A_38] : memref<2x64xi32, #tpu.memory_space<vmem>> -> memref<1x64xi32, #tpu.memory_space<vmem>>
    %dma_wait3A_40 = tpu.memref_squeeze %dma_wait3A_39 : memref<1x64xi32, #tpu.memory_space<vmem>> -> memref<64xi32, #tpu.memory_space<vmem>>
    %dma_wait3A_41 = arith.constant 0 : i32
    %dma_wait3A_42 = arith.constant 0 : i32
    %dma_wait3A_43 = tpu.memref_slice %arg4[%dma_wait3A_41, %dma_wait3A_42] : memref<6144x1024xf32, #tpu.memory_space<hbm>> -> memref<6144x1024xf32, #tpu.memory_space<hbm>>
    tpu.wait_indirect_dma semaphore(%arg7 : memref<!tpu.dma_semaphore, #tpu.memory_space<semaphore_mem>>) src(%arg6 : memref<64x1024xf32, #tpu.memory_space<vmem>>) dst(%dma_wait3A_43 : memref<6144x1024xf32, #tpu.memory_space<hbm>>)
    return
  }
}

module attributes {stable_mosaic.version = 14 : i64} {
  func.func @_shared_body(%arg0: i32, %arg1: memref<512x1024xf32, #tpu.memory_space<vmem>>, %arg2: memref<2048x1024xf32, #tpu.memory_space<vmem>>, %arg3: memref<1024x1024xf32, #tpu.memory_space<vmem>>, %arg4: memref<512x1024xf32, #tpu.memory_space<vmem>>) attributes {dimension_semantics = [#tpu.dimension_semantics<arbitrary>], iteration_bounds = array<i64: 4>, scalar_prefetch = 0 : i64, scratch_operands = 0 : i64, tpu.core_type = #tpu.core_type<tc>, window_params = [{transform_indices = @transform_0, window_bounds = array<i64: 512, 1024>}, {pipeline_mode = #tpu.pipeline_mode<synchronous>, transform_indices = @transform_1, window_bounds = array<i64: 2048, 1024>}, {pipeline_mode = #tpu.pipeline_mode<synchronous>, transform_indices = @transform_2, window_bounds = array<i64: 1024, 1024>}, {transform_indices = @transform_3, window_bounds = array<i64: 512, 1024>}]} {
    %get3A = arith.constant 0 : index
    %get3A_0 = arith.constant 0 : index
    %get3A_1 = vector.load %arg1[%get3A, %get3A_0] : memref<512x1024xf32, #tpu.memory_space<vmem>>, vector<512x1024xf32>
    %get3A_2 = arith.constant 0 : index
    %get3A_3 = arith.constant 0 : index
    %get3A_4 = vector.load %arg2[%get3A_2, %get3A_3] : memref<2048x1024xf32, #tpu.memory_space<vmem>>, vector<2048x1024xf32>
    %dot_general3A = arith.constant dense<0.000000e+00> : vector<512x2048xf32>
    %dot_general3A_5 = tpu.matmul %get3A_1, %get3A_4, %dot_general3A {dimension_numbers = #tpu.dot_dimension_numbers<[1], [1], [0], [0], [0, 0, 1, 0], [], []>, transpose_lhs_hint = false} : vector<512x1024xf32>, vector<2048x1024xf32>, vector<512x2048xf32> -> vector<512x2048xf32>
    %slice3A = vector.extract_strided_slice %dot_general3A_5 {offsets = [0, 0], sizes = [512, 1024], strides = [1, 1]} : vector<512x2048xf32> to vector<512x1024xf32>
    %slice3A_6 = vector.extract_strided_slice %dot_general3A_5 {offsets = [0, 1024], sizes = [512, 1024], strides = [1, 1]} : vector<512x2048xf32> to vector<512x1024xf32>
    %logistic3A = arith.negf %slice3A : vector<512x1024xf32>
    %logistic3A_7 = math.exp %logistic3A : vector<512x1024xf32>
    %logistic3A_8 = arith.constant 1.000000e+00 : f32
    %logistic3A_9 = vector.broadcast %logistic3A_8 : f32 to vector<512x1024xf32>
    %logistic3A_10 = arith.addf %logistic3A_9, %logistic3A_7 : vector<512x1024xf32>
    %logistic3A_11 = arith.divf %logistic3A_9, %logistic3A_10 : vector<512x1024xf32>
    %mul3A = arith.mulf %slice3A, %logistic3A_11 : vector<512x1024xf32>
    %mul3A_12 = arith.mulf %mul3A, %slice3A_6 : vector<512x1024xf32>
    %convert_element_type3A = arith.truncf %mul3A_12 : vector<512x1024xf32> to vector<512x1024xbf16>
    %get3A_13 = arith.constant 0 : index
    %get3A_14 = arith.constant 0 : index
    %get3A_15 = vector.load %arg3[%get3A_13, %get3A_14] : memref<1024x1024xf32, #tpu.memory_space<vmem>>, vector<1024x1024xf32>
    %dot_general3A_16 = arith.constant dense<0.000000e+00> : vector<512x1024xf32>
    %dot_general3A_17 = tpu.matmul %convert_element_type3A, %get3A_15, %dot_general3A_16 {dimension_numbers = #tpu.dot_dimension_numbers<[1], [1], [0], [0], [0, 0, 1, 0], [], []>, transpose_lhs_hint = false} : vector<512x1024xbf16>, vector<1024x1024xf32>, vector<512x1024xf32> -> vector<512x1024xf32>
    %swap3A = arith.constant 0 : index
    %swap3A_18 = arith.constant 0 : index
    %swap3A_19 = vector.load %arg4[%swap3A, %swap3A_18] : memref<512x1024xf32, #tpu.memory_space<vmem>>, vector<512x1024xf32>
    tpu.vector_store %arg4[%swap3A, %swap3A_18], %dot_general3A_17 {strides = array<i32>} : memref<512x1024xf32, #tpu.memory_space<vmem>>, vector<512x1024xf32>,
    return
  }
  func.func @transform_0(%arg0: i32) -> (i32, i32) {
    %c0_i32 = arith.constant 0 : i32
    %c0_i32_0 = arith.constant 0 : i32
    return %arg0, %c0_i32 : i32, i32
  }
  func.func @transform_1(%arg0: i32) -> (i32, i32) {
    %c0_i32 = arith.constant 0 : i32
    %c0_i32_0 = arith.constant 0 : i32
    %c0_i32_1 = arith.constant 0 : i32
    return %c0_i32, %c0_i32_0 : i32, i32
  }
  func.func @transform_2(%arg0: i32) -> (i32, i32) {
    %c0_i32 = arith.constant 0 : i32
    %c0_i32_0 = arith.constant 0 : i32
    %c0_i32_1 = arith.constant 0 : i32
    return %c0_i32, %c0_i32_0 : i32, i32
  }
  func.func @transform_3(%arg0: i32) -> (i32, i32) {
    %c0_i32 = arith.constant 0 : i32
    %c0_i32_0 = arith.constant 0 : i32
    return %arg0, %c0_i32 : i32, i32
  }
}

module attributes {stable_mosaic.version = 14 : i64} {
  func.func @_grouped_body(%arg0: i32, %arg1: memref<24xi32, #tpu.memory_space<smem>>, %arg2: memref<24xi32, #tpu.memory_space<smem>>, %arg3: memref<256x1024xf32, #tpu.memory_space<vmem>>, %arg4: memref<1x1024x1024xf32, #tpu.memory_space<vmem>>, %arg5: memref<1x1024x512xf32, #tpu.memory_space<vmem>>, %arg6: memref<256x1024xf32, #tpu.memory_space<vmem>>) attributes {dimension_semantics = [#tpu.dimension_semantics<arbitrary>], iteration_bounds = array<i64: 24>, scalar_prefetch = 2 : i64, scratch_operands = 0 : i64, tpu.core_type = #tpu.core_type<tc>, window_params = [{transform_indices = @transform_0, window_bounds = array<i64: 256, 1024>}, {transform_indices = @transform_1, window_bounds = array<i64: 1, 1024, 1024>}, {transform_indices = @transform_2, window_bounds = array<i64: 1, 1024, 512>}, {transform_indices = @transform_3, window_bounds = array<i64: 256, 1024>}]} {
    %get3A = arith.index_cast %arg0 : i32 to index
    %get3A_0 = memref.load %arg2[%get3A] : memref<24xi32, #tpu.memory_space<smem>>
    %gt3A = arith.constant 0 : i32
    %gt3A_1 = arith.cmpi sgt, %get3A_0, %gt3A : i32
    %convert_element_type3A = arith.extui %gt3A_1 : i1 to i32
    %cond3A = arith.constant 0 : i32
    %cond3A_2 = arith.cmpi ne, %convert_element_type3A, %cond3A : i32
    scf.if %cond3A_2 {
      %get3A_3 = arith.constant 0 : index
      %get3A_4 = arith.constant 0 : index
      %get3A_5 = vector.load %arg3[%get3A_3, %get3A_4] : memref<256x1024xf32, #tpu.memory_space<vmem>>, vector<256x1024xf32>
      %get3A_6 = arith.constant 0 : index
      %get3A_7 = arith.constant 0 : index
      %get3A_8 = arith.constant 0 : index
      %get3A_9 = vector.load %arg4[%get3A_6, %get3A_7, %get3A_8] : memref<1x1024x1024xf32, #tpu.memory_space<vmem>>, vector<1x1024x1024xf32>
      %get3A_10 = vector.shape_cast %get3A_9 : vector<1x1024x1024xf32> to vector<1024x1024xf32>
      %dot_general3A = arith.constant dense<0.000000e+00> : vector<256x1024xf32>
      %dot_general3A_11 = tpu.matmul %get3A_5, %get3A_10, %dot_general3A {dimension_numbers = #tpu.dot_dimension_numbers<[1], [1], [0], [0], [0, 0, 1, 0], [], []>, transpose_lhs_hint = false} : vector<256x1024xf32>, vector<1024x1024xf32>, vector<256x1024xf32> -> vector<256x1024xf32>
      %slice3A = vector.extract_strided_slice %dot_general3A_11 {offsets = [0, 0], sizes = [256, 512], strides = [1, 1]} : vector<256x1024xf32> to vector<256x512xf32>
      %slice3A_12 = vector.extract_strided_slice %dot_general3A_11 {offsets = [0, 512], sizes = [256, 512], strides = [1, 1]} : vector<256x1024xf32> to vector<256x512xf32>
      %logistic3A = arith.negf %slice3A : vector<256x512xf32>
      %logistic3A_13 = math.exp %logistic3A : vector<256x512xf32>
      %logistic3A_14 = arith.constant 1.000000e+00 : f32
      %logistic3A_15 = vector.broadcast %logistic3A_14 : f32 to vector<256x512xf32>
      %logistic3A_16 = arith.addf %logistic3A_15, %logistic3A_13 : vector<256x512xf32>
      %logistic3A_17 = arith.divf %logistic3A_15, %logistic3A_16 : vector<256x512xf32>
      %mul3A = arith.mulf %slice3A, %logistic3A_17 : vector<256x512xf32>
      %mul3A_18 = arith.mulf %mul3A, %slice3A_12 : vector<256x512xf32>
      %convert_element_type3A_19 = arith.truncf %mul3A_18 : vector<256x512xf32> to vector<256x512xbf16>
      %get3A_20 = arith.constant 0 : index
      %get3A_21 = arith.constant 0 : index
      %get3A_22 = arith.constant 0 : index
      %get3A_23 = vector.load %arg5[%get3A_20, %get3A_21, %get3A_22] : memref<1x1024x512xf32, #tpu.memory_space<vmem>>, vector<1x1024x512xf32>
      %get3A_24 = vector.shape_cast %get3A_23 : vector<1x1024x512xf32> to vector<1024x512xf32>
      %dot_general3A_25 = arith.constant dense<0.000000e+00> : vector<256x1024xf32>
      %dot_general3A_26 = tpu.matmul %convert_element_type3A_19, %get3A_24, %dot_general3A_25 {dimension_numbers = #tpu.dot_dimension_numbers<[1], [1], [0], [0], [0, 0, 1, 0], [], []>, transpose_lhs_hint = false} : vector<256x512xbf16>, vector<1024x512xf32>, vector<256x1024xf32> -> vector<256x1024xf32>
      %swap3A = arith.constant 0 : index
      %swap3A_27 = arith.constant 0 : index
      %swap3A_28 = vector.load %arg6[%swap3A, %swap3A_27] : memref<256x1024xf32, #tpu.memory_space<vmem>>, vector<256x1024xf32>
      tpu.vector_store %arg6[%swap3A, %swap3A_27], %dot_general3A_26 {strides = array<i32>} : memref<256x1024xf32, #tpu.memory_space<vmem>>, vector<256x1024xf32>,
    } else {
    }
    return
  }
  func.func @transform_0(%arg0: i32, %arg1: memref<24xi32, #tpu.memory_space<smem>>, %arg2: memref<24xi32, #tpu.memory_space<smem>>) -> (i32, i32) {
    %c0_i32 = arith.constant 0 : i32
    %c0_i32_0 = arith.constant 0 : i32
    return %arg0, %c0_i32 : i32, i32
  }
  func.func @transform_1(%arg0: i32, %arg1: memref<24xi32, #tpu.memory_space<smem>>, %arg2: memref<24xi32, #tpu.memory_space<smem>>) -> (i32, i32, i32) {
    %get3A = arith.index_cast %arg0 : i32 to index
    %get3A_0 = memref.load %arg1[%get3A] : memref<24xi32, #tpu.memory_space<smem>>
    %c0_i32 = arith.constant 0 : i32
    %c0_i32_1 = arith.constant 0 : i32
    %c0_i32_2 = arith.constant 0 : i32
    return %get3A_0, %c0_i32, %c0_i32_1 : i32, i32, i32
  }
  func.func @transform_2(%arg0: i32, %arg1: memref<24xi32, #tpu.memory_space<smem>>, %arg2: memref<24xi32, #tpu.memory_space<smem>>) -> (i32, i32, i32) {
    %get3A = arith.index_cast %arg0 : i32 to index
    %get3A_0 = memref.load %arg1[%get3A] : memref<24xi32, #tpu.memory_space<smem>>
    %c0_i32 = arith.constant 0 : i32
    %c0_i32_1 = arith.constant 0 : i32
    %c0_i32_2 = arith.constant 0 : i32
    return %get3A_0, %c0_i32, %c0_i32_1 : i32, i32, i32
  }
  func.func @transform_3(%arg0: i32, %arg1: memref<24xi32, #tpu.memory_space<smem>>, %arg2: memref<24xi32, #tpu.memory_space<smem>>) -> (i32, i32) {
    %c0_i32 = arith.constant 0 : i32
    %c0_i32_0 = arith.constant 0 : i32
    return %arg0, %c0_i32 : i32, i32
  }
}

module attributes {stable_mosaic.version = 14 : i64} {
  func.func @_gate_body(%arg0: memref<2048x1024xf32, #tpu.memory_space<vmem>>, %arg1: memref<8x1024xf32, #tpu.memory_space<vmem>>, %arg2: memref<1x8xf32, #tpu.memory_space<vmem>>, %arg3: memref<4096x1xi32, #tpu.memory_space<vmem>>, %arg4: memref<2048x1xf32, #tpu.memory_space<vmem>>, %arg5: memref<2048x1xf32, #tpu.memory_space<vmem>>, %arg6: memref<24x1xi32, #tpu.memory_space<vmem>>, %arg7: memref<24x1xi32, #tpu.memory_space<vmem>>) attributes {dimension_semantics = [], scalar_prefetch = 0 : i64, scratch_operands = 0 : i64, tpu.core_type = #tpu.core_type<tc>} {
    %get3A = arith.constant 0 : index
    %get3A_0 = arith.constant 0 : index
    %get3A_1 = vector.load %arg0[%get3A, %get3A_0] : memref<2048x1024xf32, #tpu.memory_space<vmem>>, vector<2048x1024xf32>
    %get3A_2 = arith.constant 0 : index
    %get3A_3 = arith.constant 0 : index
    %get3A_4 = vector.load %arg1[%get3A_2, %get3A_3] : memref<8x1024xf32, #tpu.memory_space<vmem>>, vector<8x1024xf32>
    %dot_general3A = arith.constant dense<0.000000e+00> : vector<2048x8xf32>
    %dot_general3A_5 = tpu.matmul %get3A_1, %get3A_4, %dot_general3A {dimension_numbers = #tpu.dot_dimension_numbers<[1], [1], [0], [0], [0, 0, 1, 0], [], []>, transpose_lhs_hint = false} : vector<2048x1024xf32>, vector<8x1024xf32>, vector<2048x8xf32> -> vector<2048x8xf32>
    %logistic3A = arith.negf %dot_general3A_5 : vector<2048x8xf32>
    %logistic3A_6 = math.exp %logistic3A : vector<2048x8xf32>
    %logistic3A_7 = arith.constant 1.000000e+00 : f32
    %logistic3A_8 = vector.broadcast %logistic3A_7 : f32 to vector<2048x8xf32>
    %logistic3A_9 = arith.addf %logistic3A_8, %logistic3A_6 : vector<2048x8xf32>
    %logistic3A_10 = arith.divf %logistic3A_8, %logistic3A_9 : vector<2048x8xf32>
    %get3A_11 = arith.constant 0 : index
    %get3A_12 = arith.constant 0 : index
    %get3A_13 = vector.load %arg2[%get3A_11, %get3A_12] : memref<1x8xf32, #tpu.memory_space<vmem>>, vector<1x8xf32>
    %add3A = vector.broadcast %get3A_13 : vector<1x8xf32> to vector<2048x8xf32>
    %add3A_14 = arith.addf %logistic3A_10, %add3A : vector<2048x8xf32>
    %iota3A = tpu.iota {dimensions = array<i32: 0>} : vector<4x8xi32>
    %iota3A_15 = tpu.iota {dimensions = array<i32: 1>} : vector<4x8xi32>
    %jit3A = arith.constant 2 : i32
    %div3A = vector.broadcast %jit3A : i32 to vector<4x8xi32>
    %div3A_16 = arith.divsi %iota3A_15, %div3A : vector<4x8xi32>
    %sign3A = arith.constant 0 : i32
    %sign3A_17 = vector.broadcast %sign3A : i32 to vector<4x8xi32>
    %sign3A_18 = arith.cmpi sgt, %iota3A_15, %sign3A_17 : vector<4x8xi32>
    %sign3A_19 = arith.extui %sign3A_18 : vector<4x8xi1> to vector<4x8xi32>
    %sign3A_20 = arith.constant 0 : i32
    %sign3A_21 = vector.broadcast %sign3A_20 : i32 to vector<4x8xi32>
    %sign3A_22 = arith.cmpi slt, %iota3A_15, %sign3A_21 : vector<4x8xi32>
    %sign3A_23 = arith.extui %sign3A_22 : vector<4x8xi1> to vector<4x8xi32>
    %sign3A_24 = arith.subi %sign3A_19, %sign3A_23 : vector<4x8xi32>
    %sign3A_25 = arith.constant 0 : i32
    %sign3A_26 = arith.cmpi sgt, %jit3A, %sign3A_25 : i32
    %sign3A_27 = arith.extui %sign3A_26 : i1 to i32
    %sign3A_28 = arith.constant 0 : i32
    %sign3A_29 = arith.cmpi slt, %jit3A, %sign3A_28 : i32
    %sign3A_30 = arith.extui %sign3A_29 : i1 to i32
    %sign3A_31 = arith.subi %sign3A_27, %sign3A_30 : i32
    %ne3A = vector.broadcast %sign3A_31 : i32 to vector<4x8xi32>
    %ne3A_32 = arith.cmpi ne, %sign3A_24, %ne3A : vector<4x8xi32>
    %rem3A = vector.broadcast %jit3A : i32 to vector<4x8xi32>
    %rem3A_33 = arith.remsi %iota3A_15, %rem3A : vector<4x8xi32>
    %ne3A_34 = arith.constant 0 : i32
    %ne3A_35 = vector.broadcast %ne3A_34 : i32 to vector<4x8xi32>
    %ne3A_36 = arith.cmpi ne, %rem3A_33, %ne3A_35 : vector<4x8xi32>
    %and3A = arith.andi %ne3A_32, %ne3A_36 : vector<4x8xi1>
    %sub3A = arith.constant 1 : i32
    %sub3A_37 = vector.broadcast %sub3A : i32 to vector<4x8xi32>
    %sub3A_38 = arith.subi %div3A_16, %sub3A_37 : vector<4x8xi32>
    %select_n3A = arith.select %and3A, %sub3A_38, %div3A_16 : vector<4x8xi1>, vector<4x8xi32>
    %eq3A = arith.cmpi eq, %select_n3A, %iota3A : vector<4x8xi32>
    %convert_element_type3A = arith.extui %eq3A : vector<4x8xi1> to vector<4x8xi32>
    %convert_element_type3A_39 = arith.sitofp %convert_element_type3A : vector<4x8xi32> to vector<4x8xf32>
    %dot_general3A_40 = arith.constant dense<0.000000e+00> : vector<2048x4xf32>
    %dot_general3A_41 = tpu.matmul %add3A_14, %convert_element_type3A_39, %dot_general3A_40 {dimension_numbers = #tpu.dot_dimension_numbers<[1], [1], [0], [0], [0, 0, 1, 0], [], []>, precision = #tpu.contract_precision<fp32>, transpose_lhs_hint = false} : vector<2048x8xf32>, vector<4x8xf32>, vector<2048x4xf32> -> vector<2048x4xf32>
    %concatenate3A = tpu.concatenate %dot_general3A_41, %dot_general3A_41, %dot_general3A_41, %dot_general3A_41 in 1 : vector<2048x4xf32>, vector<2048x4xf32>, vector<2048x4xf32>, vector<2048x4xf32> -> vector<2048x16xf32>
    %slice3A = vector.extract_strided_slice %dot_general3A_41 {offsets = [0, 0], sizes = [2048, 1], strides = [1, 1]} : vector<2048x4xf32> to vector<2048x1xf32>
    %broadcast_in_dim3A = vector.shape_cast %slice3A : vector<2048x1xf32> to vector<2048x1xf32>
    %broadcast_in_dim3A_42 = vector.broadcast %broadcast_in_dim3A : vector<2048x1xf32> to vector<2048x4xf32>
    %slice3A_43 = vector.extract_strided_slice %dot_general3A_41 {offsets = [0, 1], sizes = [2048, 1], strides = [1, 1]} : vector<2048x4xf32> to vector<2048x1xf32>
    %broadcast_in_dim3A_44 = vector.shape_cast %slice3A_43 : vector<2048x1xf32> to vector<2048x1xf32>
    %broadcast_in_dim3A_45 = vector.broadcast %broadcast_in_dim3A_44 : vector<2048x1xf32> to vector<2048x4xf32>
    %slice3A_46 = vector.extract_strided_slice %dot_general3A_41 {offsets = [0, 2], sizes = [2048, 1], strides = [1, 1]} : vector<2048x4xf32> to vector<2048x1xf32>
    %broadcast_in_dim3A_47 = vector.shape_cast %slice3A_46 : vector<2048x1xf32> to vector<2048x1xf32>
    %broadcast_in_dim3A_48 = vector.broadcast %broadcast_in_dim3A_47 : vector<2048x1xf32> to vector<2048x4xf32>
    %slice3A_49 = vector.extract_strided_slice %dot_general3A_41 {offsets = [0, 3], sizes = [2048, 1], strides = [1, 1]} : vector<2048x4xf32> to vector<2048x1xf32>
    %broadcast_in_dim3A_50 = vector.shape_cast %slice3A_49 : vector<2048x1xf32> to vector<2048x1xf32>
    %broadcast_in_dim3A_51 = vector.broadcast %broadcast_in_dim3A_50 : vector<2048x1xf32> to vector<2048x4xf32>
    %concatenate3A_52 = tpu.concatenate %broadcast_in_dim3A_42, %broadcast_in_dim3A_45, %broadcast_in_dim3A_48, %broadcast_in_dim3A_51 in 1 : vector<2048x4xf32>, vector<2048x4xf32>, vector<2048x4xf32>, vector<2048x4xf32> -> vector<2048x16xf32>
    %iota3A_53 = tpu.iota {dimensions = array<i32: 1>} : vector<2048x16xi32>
    %jit3A_54 = arith.constant 4 : i32
    %eq3A_55 = arith.constant 0 : i32
    %eq3A_56 = arith.cmpi eq, %jit3A_54, %eq3A_55 : i32
    %jit3A_57 = arith.constant 1 : i32
    %select_n3A_58 = arith.select %eq3A_56, %jit3A_57, %jit3A_54 : i32
    %rem3A_59 = vector.broadcast %select_n3A_58 : i32 to vector<2048x16xi32>
    %rem3A_60 = arith.remsi %iota3A_53, %rem3A_59 : vector<2048x16xi32>
    %ne3A_61 = arith.constant 0 : i32
    %ne3A_62 = vector.broadcast %ne3A_61 : i32 to vector<2048x16xi32>
    %ne3A_63 = arith.cmpi ne, %rem3A_60, %ne3A_62 : vector<2048x16xi32>
    %lt3A = arith.constant 0 : i32
    %lt3A_64 = vector.broadcast %lt3A : i32 to vector<2048x16xi32>
    %lt3A_65 = arith.cmpi slt, %rem3A_60, %lt3A_64 : vector<2048x16xi32>
    %lt3A_66 = arith.constant 0 : i32
    %lt3A_67 = arith.cmpi slt, %select_n3A_58, %lt3A_66 : i32
    %ne3A_68 = vector.broadcast %lt3A_67 : i1 to vector<2048x16xi1>
    %ne3A_69 = vector.broadcast %ne3A_68 : vector<2048x16xi1> to vector<2048x16xi1>
    %ne3A_70 = arith.xori %lt3A_65, %ne3A_69 : vector<2048x16xi1>
    %and3A_71 = arith.andi %ne3A_70, %ne3A_63 : vector<2048x16xi1>
    %add3A_72 = vector.broadcast %select_n3A_58 : i32 to vector<2048x16xi32>
    %add3A_73 = arith.addi %rem3A_60, %add3A_72 : vector<2048x16xi32>
    %select_n3A_74 = arith.select %and3A_71, %add3A_73, %rem3A_60 : vector<2048x16xi1>, vector<2048x16xi32>
    %jit3A_75 = arith.constant 4 : i32
    %div3A_76 = vector.broadcast %jit3A_75 : i32 to vector<2048x16xi32>
    %div3A_77 = arith.divsi %iota3A_53, %div3A_76 : vector<2048x16xi32>
    %sign3A_78 = arith.constant 0 : i32
    %sign3A_79 = vector.broadcast %sign3A_78 : i32 to vector<2048x16xi32>
    %sign3A_80 = arith.cmpi sgt, %iota3A_53, %sign3A_79 : vector<2048x16xi32>
    %sign3A_81 = arith.extui %sign3A_80 : vector<2048x16xi1> to vector<2048x16xi32>
    %sign3A_82 = arith.constant 0 : i32
    %sign3A_83 = vector.broadcast %sign3A_82 : i32 to vector<2048x16xi32>
    %sign3A_84 = arith.cmpi slt, %iota3A_53, %sign3A_83 : vector<2048x16xi32>
    %sign3A_85 = arith.extui %sign3A_84 : vector<2048x16xi1> to vector<2048x16xi32>
    %sign3A_86 = arith.subi %sign3A_81, %sign3A_85 : vector<2048x16xi32>
    %sign3A_87 = arith.constant 0 : i32
    %sign3A_88 = arith.cmpi sgt, %jit3A_75, %sign3A_87 : i32
    %sign3A_89 = arith.extui %sign3A_88 : i1 to i32
    %sign3A_90 = arith.constant 0 : i32
    %sign3A_91 = arith.cmpi slt, %jit3A_75, %sign3A_90 : i32
    %sign3A_92 = arith.extui %sign3A_91 : i1 to i32
    %sign3A_93 = arith.subi %sign3A_89, %sign3A_92 : i32
    %ne3A_94 = vector.broadcast %sign3A_93 : i32 to vector<2048x16xi32>
    %ne3A_95 = arith.cmpi ne, %sign3A_86, %ne3A_94 : vector<2048x16xi32>
    %rem3A_96 = vector.broadcast %jit3A_75 : i32 to vector<2048x16xi32>
    %rem3A_97 = arith.remsi %iota3A_53, %rem3A_96 : vector<2048x16xi32>
    %ne3A_98 = arith.constant 0 : i32
    %ne3A_99 = vector.broadcast %ne3A_98 : i32 to vector<2048x16xi32>
    %ne3A_100 = arith.cmpi ne, %rem3A_97, %ne3A_99 : vector<2048x16xi32>
    %and3A_101 = arith.andi %ne3A_95, %ne3A_100 : vector<2048x16xi1>
    %sub3A_102 = arith.constant 1 : i32
    %sub3A_103 = vector.broadcast %sub3A_102 : i32 to vector<2048x16xi32>
    %sub3A_104 = arith.subi %div3A_77, %sub3A_103 : vector<2048x16xi32>
    %select_n3A_105 = arith.select %and3A_101, %sub3A_104, %div3A_77 : vector<2048x16xi1>, vector<2048x16xi32>
    %lt3A_106 = arith.cmpi slt, %select_n3A_74, %select_n3A_105 : vector<2048x16xi32>
    %gt3A = arith.cmpf ogt, %concatenate3A, %concatenate3A_52 : vector<2048x16xf32>
    %eq3A_107 = arith.cmpf oeq, %concatenate3A, %concatenate3A_52 : vector<2048x16xf32>
    %and3A_108 = arith.andi %eq3A_107, %lt3A_106 : vector<2048x16xi1>
    %or3A = arith.ori %gt3A, %and3A_108 : vector<2048x16xi1>
    %iota3A_109 = tpu.iota {dimensions = array<i32: 0>} : vector<16x4xi32>
    %iota3A_110 = tpu.iota {dimensions = array<i32: 1>} : vector<16x4xi32>
    %jit3A_111 = arith.constant 4 : i32
    %div3A_112 = vector.broadcast %jit3A_111 : i32 to vector<16x4xi32>
    %div3A_113 = arith.divsi %iota3A_109, %div3A_112 : vector<16x4xi32>
    %sign3A_114 = arith.constant 0 : i32
    %sign3A_115 = vector.broadcast %sign3A_114 : i32 to vector<16x4xi32>
    %sign3A_116 = arith.cmpi sgt, %iota3A_109, %sign3A_115 : vector<16x4xi32>
    %sign3A_117 = arith.extui %sign3A_116 : vector<16x4xi1> to vector<16x4xi32>
    %sign3A_118 = arith.constant 0 : i32
    %sign3A_119 = vector.broadcast %sign3A_118 : i32 to vector<16x4xi32>
    %sign3A_120 = arith.cmpi slt, %iota3A_109, %sign3A_119 : vector<16x4xi32>
    %sign3A_121 = arith.extui %sign3A_120 : vector<16x4xi1> to vector<16x4xi32>
    %sign3A_122 = arith.subi %sign3A_117, %sign3A_121 : vector<16x4xi32>
    %sign3A_123 = arith.constant 0 : i32
    %sign3A_124 = arith.cmpi sgt, %jit3A_111, %sign3A_123 : i32
    %sign3A_125 = arith.extui %sign3A_124 : i1 to i32
    %sign3A_126 = arith.constant 0 : i32
    %sign3A_127 = arith.cmpi slt, %jit3A_111, %sign3A_126 : i32
    %sign3A_128 = arith.extui %sign3A_127 : i1 to i32
    %sign3A_129 = arith.subi %sign3A_125, %sign3A_128 : i32
    %ne3A_130 = vector.broadcast %sign3A_129 : i32 to vector<16x4xi32>
    %ne3A_131 = arith.cmpi ne, %sign3A_122, %ne3A_130 : vector<16x4xi32>
    %rem3A_132 = vector.broadcast %jit3A_111 : i32 to vector<16x4xi32>
    %rem3A_133 = arith.remsi %iota3A_109, %rem3A_132 : vector<16x4xi32>
    %ne3A_134 = arith.constant 0 : i32
    %ne3A_135 = vector.broadcast %ne3A_134 : i32 to vector<16x4xi32>
    %ne3A_136 = arith.cmpi ne, %rem3A_133, %ne3A_135 : vector<16x4xi32>
    %and3A_137 = arith.andi %ne3A_131, %ne3A_136 : vector<16x4xi1>
    %sub3A_138 = arith.constant 1 : i32
    %sub3A_139 = vector.broadcast %sub3A_138 : i32 to vector<16x4xi32>
    %sub3A_140 = arith.subi %div3A_113, %sub3A_139 : vector<16x4xi32>
    %select_n3A_141 = arith.select %and3A_137, %sub3A_140, %div3A_113 : vector<16x4xi1>, vector<16x4xi32>
    %eq3A_142 = arith.cmpi eq, %select_n3A_141, %iota3A_110 : vector<16x4xi32>
    %convert_element_type3A_143 = arith.extui %eq3A_142 : vector<16x4xi1> to vector<16x4xi32>
    %convert_element_type3A_144 = arith.sitofp %convert_element_type3A_143 : vector<16x4xi32> to vector<16x4xf32>
    %convert_element_type3A_145 = arith.extui %or3A : vector<2048x16xi1> to vector<2048x16xi32>
    %convert_element_type3A_146 = arith.sitofp %convert_element_type3A_145 : vector<2048x16xi32> to vector<2048x16xf32>
    %dot_general3A_147 = arith.constant dense<0.000000e+00> : vector<2048x4xf32>
    %dot_general3A_148 = tpu.matmul %convert_element_type3A_146, %convert_element_type3A_144, %dot_general3A_147 {dimension_numbers = #tpu.dot_dimension_numbers<[1], [0], [0], [1], [0, 0, 1, 1], [], []>, transpose_lhs_hint = false} : vector<2048x16xf32>, vector<16x4xf32>, vector<2048x4xf32> -> vector<2048x4xf32>
    %convert_element_type3A_149 = arith.fptosi %dot_general3A_148 : vector<2048x4xf32> to vector<2048x4xi32>
    %lt3A_150 = arith.constant 2 : i32
    %lt3A_151 = vector.broadcast %lt3A_150 : i32 to vector<2048x4xi32>
    %lt3A_152 = arith.cmpi slt, %convert_element_type3A_149, %lt3A_151 : vector<2048x4xi32>
    %convert_element_type3A_153 = arith.extui %lt3A_152 : vector<2048x4xi1> to vector<2048x4xi32>
    %convert_element_type3A_154 = arith.sitofp %convert_element_type3A_153 : vector<2048x4xi32> to vector<2048x4xf32>
    %dot_general3A_155 = arith.constant dense<0.000000e+00> : vector<2048x8xf32>
    %dot_general3A_156 = tpu.matmul %convert_element_type3A_154, %convert_element_type3A_39, %dot_general3A_155 {dimension_numbers = #tpu.dot_dimension_numbers<[1], [0], [0], [1], [0, 0, 1, 1], [], []>, transpose_lhs_hint = false} : vector<2048x4xf32>, vector<4x8xf32>, vector<2048x8xf32> -> vector<2048x8xf32>
    %gt3A_157 = arith.constant 5.000000e-01 : f32
    %gt3A_158 = vector.broadcast %gt3A_157 : f32 to vector<2048x8xf32>
    %gt3A_159 = arith.cmpf ogt, %dot_general3A_156, %gt3A_158 : vector<2048x8xf32>
    %jit3A_160 = arith.constant 0xFF800000 : f32
    %broadcast_in_dim3A_161 = vector.broadcast %jit3A_160 : f32 to vector<2048x8xf32>
    %select_n3A_162 = arith.select %gt3A_159, %add3A_14, %broadcast_in_dim3A_161 : vector<2048x8xi1>, vector<2048x8xf32>
    %concatenate3A_163 = tpu.concatenate %select_n3A_162, %select_n3A_162, %select_n3A_162, %select_n3A_162, %select_n3A_162, %select_n3A_162, %select_n3A_162, %select_n3A_162 in 1 : vector<2048x8xf32>, vector<2048x8xf32>, vector<2048x8xf32>, vector<2048x8xf32>, vector<2048x8xf32>, vector<2048x8xf32>, vector<2048x8xf32>, vector<2048x8xf32> -> vector<2048x64xf32>
    %slice3A_164 = vector.extract_strided_slice %select_n3A_162 {offsets = [0, 0], sizes = [2048, 1], strides = [1, 1]} : vector<2048x8xf32> to vector<2048x1xf32>
    %broadcast_in_dim3A_165 = vector.shape_cast %slice3A_164 : vector<2048x1xf32> to vector<2048x1xf32>
    %broadcast_in_dim3A_166 = vector.broadcast %broadcast_in_dim3A_165 : vector<2048x1xf32> to vector<2048x8xf32>
    %slice3A_167 = vector.extract_strided_slice %select_n3A_162 {offsets = [0, 1], sizes = [2048, 1], strides = [1, 1]} : vector<2048x8xf32> to vector<2048x1xf32>
    %broadcast_in_dim3A_168 = vector.shape_cast %slice3A_167 : vector<2048x1xf32> to vector<2048x1xf32>
    %broadcast_in_dim3A_169 = vector.broadcast %broadcast_in_dim3A_168 : vector<2048x1xf32> to vector<2048x8xf32>
    %slice3A_170 = vector.extract_strided_slice %select_n3A_162 {offsets = [0, 2], sizes = [2048, 1], strides = [1, 1]} : vector<2048x8xf32> to vector<2048x1xf32>
    %broadcast_in_dim3A_171 = vector.shape_cast %slice3A_170 : vector<2048x1xf32> to vector<2048x1xf32>
    %broadcast_in_dim3A_172 = vector.broadcast %broadcast_in_dim3A_171 : vector<2048x1xf32> to vector<2048x8xf32>
    %slice3A_173 = vector.extract_strided_slice %select_n3A_162 {offsets = [0, 3], sizes = [2048, 1], strides = [1, 1]} : vector<2048x8xf32> to vector<2048x1xf32>
    %broadcast_in_dim3A_174 = vector.shape_cast %slice3A_173 : vector<2048x1xf32> to vector<2048x1xf32>
    %broadcast_in_dim3A_175 = vector.broadcast %broadcast_in_dim3A_174 : vector<2048x1xf32> to vector<2048x8xf32>
    %slice3A_176 = vector.extract_strided_slice %select_n3A_162 {offsets = [0, 4], sizes = [2048, 1], strides = [1, 1]} : vector<2048x8xf32> to vector<2048x1xf32>
    %broadcast_in_dim3A_177 = vector.shape_cast %slice3A_176 : vector<2048x1xf32> to vector<2048x1xf32>
    %broadcast_in_dim3A_178 = vector.broadcast %broadcast_in_dim3A_177 : vector<2048x1xf32> to vector<2048x8xf32>
    %slice3A_179 = vector.extract_strided_slice %select_n3A_162 {offsets = [0, 5], sizes = [2048, 1], strides = [1, 1]} : vector<2048x8xf32> to vector<2048x1xf32>
    %broadcast_in_dim3A_180 = vector.shape_cast %slice3A_179 : vector<2048x1xf32> to vector<2048x1xf32>
    %broadcast_in_dim3A_181 = vector.broadcast %broadcast_in_dim3A_180 : vector<2048x1xf32> to vector<2048x8xf32>
    %slice3A_182 = vector.extract_strided_slice %select_n3A_162 {offsets = [0, 6], sizes = [2048, 1], strides = [1, 1]} : vector<2048x8xf32> to vector<2048x1xf32>
    %broadcast_in_dim3A_183 = vector.shape_cast %slice3A_182 : vector<2048x1xf32> to vector<2048x1xf32>
    %broadcast_in_dim3A_184 = vector.broadcast %broadcast_in_dim3A_183 : vector<2048x1xf32> to vector<2048x8xf32>
    %slice3A_185 = vector.extract_strided_slice %select_n3A_162 {offsets = [0, 7], sizes = [2048, 1], strides = [1, 1]} : vector<2048x8xf32> to vector<2048x1xf32>
    %broadcast_in_dim3A_186 = vector.shape_cast %slice3A_185 : vector<2048x1xf32> to vector<2048x1xf32>
    %broadcast_in_dim3A_187 = vector.broadcast %broadcast_in_dim3A_186 : vector<2048x1xf32> to vector<2048x8xf32>
    %concatenate3A_188 = tpu.concatenate %broadcast_in_dim3A_166, %broadcast_in_dim3A_169, %broadcast_in_dim3A_172, %broadcast_in_dim3A_175, %broadcast_in_dim3A_178, %broadcast_in_dim3A_181, %broadcast_in_dim3A_184, %broadcast_in_dim3A_187 in 1 : vector<2048x8xf32>, vector<2048x8xf32>, vector<2048x8xf32>, vector<2048x8xf32>, vector<2048x8xf32>, vector<2048x8xf32>, vector<2048x8xf32>, vector<2048x8xf32> -> vector<2048x64xf32>
    %iota3A_189 = tpu.iota {dimensions = array<i32: 1>} : vector<2048x64xi32>
    %jit3A_190 = arith.constant 8 : i32
    %eq3A_191 = arith.constant 0 : i32
    %eq3A_192 = arith.cmpi eq, %jit3A_190, %eq3A_191 : i32
    %jit3A_193 = arith.constant 1 : i32
    %select_n3A_194 = arith.select %eq3A_192, %jit3A_193, %jit3A_190 : i32
    %rem3A_195 = vector.broadcast %select_n3A_194 : i32 to vector<2048x64xi32>
    %rem3A_196 = arith.remsi %iota3A_189, %rem3A_195 : vector<2048x64xi32>
    %ne3A_197 = arith.constant 0 : i32
    %ne3A_198 = vector.broadcast %ne3A_197 : i32 to vector<2048x64xi32>
    %ne3A_199 = arith.cmpi ne, %rem3A_196, %ne3A_198 : vector<2048x64xi32>
    %lt3A_200 = arith.constant 0 : i32
    %lt3A_201 = vector.broadcast %lt3A_200 : i32 to vector<2048x64xi32>
    %lt3A_202 = arith.cmpi slt, %rem3A_196, %lt3A_201 : vector<2048x64xi32>
    %lt3A_203 = arith.constant 0 : i32
    %lt3A_204 = arith.cmpi slt, %select_n3A_194, %lt3A_203 : i32
    %ne3A_205 = vector.broadcast %lt3A_204 : i1 to vector<2048x64xi1>
    %ne3A_206 = vector.broadcast %ne3A_205 : vector<2048x64xi1> to vector<2048x64xi1>
    %ne3A_207 = arith.xori %lt3A_202, %ne3A_206 : vector<2048x64xi1>
    %and3A_208 = arith.andi %ne3A_207, %ne3A_199 : vector<2048x64xi1>
    %add3A_209 = vector.broadcast %select_n3A_194 : i32 to vector<2048x64xi32>
    %add3A_210 = arith.addi %rem3A_196, %add3A_209 : vector<2048x64xi32>
    %select_n3A_211 = arith.select %and3A_208, %add3A_210, %rem3A_196 : vector<2048x64xi1>, vector<2048x64xi32>
    %jit3A_212 = arith.constant 8 : i32
    %div3A_213 = vector.broadcast %jit3A_212 : i32 to vector<2048x64xi32>
    %div3A_214 = arith.divsi %iota3A_189, %div3A_213 : vector<2048x64xi32>
    %sign3A_215 = arith.constant 0 : i32
    %sign3A_216 = vector.broadcast %sign3A_215 : i32 to vector<2048x64xi32>
    %sign3A_217 = arith.cmpi sgt, %iota3A_189, %sign3A_216 : vector<2048x64xi32>
    %sign3A_218 = arith.extui %sign3A_217 : vector<2048x64xi1> to vector<2048x64xi32>
    %sign3A_219 = arith.constant 0 : i32
    %sign3A_220 = vector.broadcast %sign3A_219 : i32 to vector<2048x64xi32>
    %sign3A_221 = arith.cmpi slt, %iota3A_189, %sign3A_220 : vector<2048x64xi32>
    %sign3A_222 = arith.extui %sign3A_221 : vector<2048x64xi1> to vector<2048x64xi32>
    %sign3A_223 = arith.subi %sign3A_218, %sign3A_222 : vector<2048x64xi32>
    %sign3A_224 = arith.constant 0 : i32
    %sign3A_225 = arith.cmpi sgt, %jit3A_212, %sign3A_224 : i32
    %sign3A_226 = arith.extui %sign3A_225 : i1 to i32
    %sign3A_227 = arith.constant 0 : i32
    %sign3A_228 = arith.cmpi slt, %jit3A_212, %sign3A_227 : i32
    %sign3A_229 = arith.extui %sign3A_228 : i1 to i32
    %sign3A_230 = arith.subi %sign3A_226, %sign3A_229 : i32
    %ne3A_231 = vector.broadcast %sign3A_230 : i32 to vector<2048x64xi32>
    %ne3A_232 = arith.cmpi ne, %sign3A_223, %ne3A_231 : vector<2048x64xi32>
    %rem3A_233 = vector.broadcast %jit3A_212 : i32 to vector<2048x64xi32>
    %rem3A_234 = arith.remsi %iota3A_189, %rem3A_233 : vector<2048x64xi32>
    %ne3A_235 = arith.constant 0 : i32
    %ne3A_236 = vector.broadcast %ne3A_235 : i32 to vector<2048x64xi32>
    %ne3A_237 = arith.cmpi ne, %rem3A_234, %ne3A_236 : vector<2048x64xi32>
    %and3A_238 = arith.andi %ne3A_232, %ne3A_237 : vector<2048x64xi1>
    %sub3A_239 = arith.constant 1 : i32
    %sub3A_240 = vector.broadcast %sub3A_239 : i32 to vector<2048x64xi32>
    %sub3A_241 = arith.subi %div3A_214, %sub3A_240 : vector<2048x64xi32>
    %select_n3A_242 = arith.select %and3A_238, %sub3A_241, %div3A_214 : vector<2048x64xi1>, vector<2048x64xi32>
    %lt3A_243 = arith.cmpi slt, %select_n3A_211, %select_n3A_242 : vector<2048x64xi32>
    %gt3A_244 = arith.cmpf ogt, %concatenate3A_163, %concatenate3A_188 : vector<2048x64xf32>
    %eq3A_245 = arith.cmpf oeq, %concatenate3A_163, %concatenate3A_188 : vector<2048x64xf32>
    %and3A_246 = arith.andi %eq3A_245, %lt3A_243 : vector<2048x64xi1>
    %or3A_247 = arith.ori %gt3A_244, %and3A_246 : vector<2048x64xi1>
    %iota3A_248 = tpu.iota {dimensions = array<i32: 0>} : vector<64x8xi32>
    %iota3A_249 = tpu.iota {dimensions = array<i32: 1>} : vector<64x8xi32>
    %jit3A_250 = arith.constant 8 : i32
    %div3A_251 = vector.broadcast %jit3A_250 : i32 to vector<64x8xi32>
    %div3A_252 = arith.divsi %iota3A_248, %div3A_251 : vector<64x8xi32>
    %sign3A_253 = arith.constant 0 : i32
    %sign3A_254 = vector.broadcast %sign3A_253 : i32 to vector<64x8xi32>
    %sign3A_255 = arith.cmpi sgt, %iota3A_248, %sign3A_254 : vector<64x8xi32>
    %sign3A_256 = arith.extui %sign3A_255 : vector<64x8xi1> to vector<64x8xi32>
    %sign3A_257 = arith.constant 0 : i32
    %sign3A_258 = vector.broadcast %sign3A_257 : i32 to vector<64x8xi32>
    %sign3A_259 = arith.cmpi slt, %iota3A_248, %sign3A_258 : vector<64x8xi32>
    %sign3A_260 = arith.extui %sign3A_259 : vector<64x8xi1> to vector<64x8xi32>
    %sign3A_261 = arith.subi %sign3A_256, %sign3A_260 : vector<64x8xi32>
    %sign3A_262 = arith.constant 0 : i32
    %sign3A_263 = arith.cmpi sgt, %jit3A_250, %sign3A_262 : i32
    %sign3A_264 = arith.extui %sign3A_263 : i1 to i32
    %sign3A_265 = arith.constant 0 : i32
    %sign3A_266 = arith.cmpi slt, %jit3A_250, %sign3A_265 : i32
    %sign3A_267 = arith.extui %sign3A_266 : i1 to i32
    %sign3A_268 = arith.subi %sign3A_264, %sign3A_267 : i32
    %ne3A_269 = vector.broadcast %sign3A_268 : i32 to vector<64x8xi32>
    %ne3A_270 = arith.cmpi ne, %sign3A_261, %ne3A_269 : vector<64x8xi32>
    %rem3A_271 = vector.broadcast %jit3A_250 : i32 to vector<64x8xi32>
    %rem3A_272 = arith.remsi %iota3A_248, %rem3A_271 : vector<64x8xi32>
    %ne3A_273 = arith.constant 0 : i32
    %ne3A_274 = vector.broadcast %ne3A_273 : i32 to vector<64x8xi32>
    %ne3A_275 = arith.cmpi ne, %rem3A_272, %ne3A_274 : vector<64x8xi32>
    %and3A_276 = arith.andi %ne3A_270, %ne3A_275 : vector<64x8xi1>
    %sub3A_277 = arith.constant 1 : i32
    %sub3A_278 = vector.broadcast %sub3A_277 : i32 to vector<64x8xi32>
    %sub3A_279 = arith.subi %div3A_252, %sub3A_278 : vector<64x8xi32>
    %select_n3A_280 = arith.select %and3A_276, %sub3A_279, %div3A_252 : vector<64x8xi1>, vector<64x8xi32>
    %eq3A_281 = arith.cmpi eq, %select_n3A_280, %iota3A_249 : vector<64x8xi32>
    %convert_element_type3A_282 = arith.extui %eq3A_281 : vector<64x8xi1> to vector<64x8xi32>
    %convert_element_type3A_283 = arith.sitofp %convert_element_type3A_282 : vector<64x8xi32> to vector<64x8xf32>
    %convert_element_type3A_284 = arith.extui %or3A_247 : vector<2048x64xi1> to vector<2048x64xi32>
    %convert_element_type3A_285 = arith.sitofp %convert_element_type3A_284 : vector<2048x64xi32> to vector<2048x64xf32>
    %dot_general3A_286 = arith.constant dense<0.000000e+00> : vector<2048x8xf32>
    %dot_general3A_287 = tpu.matmul %convert_element_type3A_285, %convert_element_type3A_283, %dot_general3A_286 {dimension_numbers = #tpu.dot_dimension_numbers<[1], [0], [0], [1], [0, 0, 1, 1], [], []>, transpose_lhs_hint = false} : vector<2048x64xf32>, vector<64x8xf32>, vector<2048x8xf32> -> vector<2048x8xf32>
    %convert_element_type3A_288 = arith.fptosi %dot_general3A_287 : vector<2048x8xf32> to vector<2048x8xi32>
    %eq3A_289 = arith.constant 0 : i32
    %eq3A_290 = vector.broadcast %eq3A_289 : i32 to vector<2048x8xi32>
    %eq3A_291 = arith.cmpi eq, %convert_element_type3A_288, %eq3A_290 : vector<2048x8xi32>
    %convert_element_type3A_292 = arith.extui %eq3A_291 : vector<2048x8xi1> to vector<2048x8xi32>
    %convert_element_type3A_293 = arith.sitofp %convert_element_type3A_292 : vector<2048x8xi32> to vector<2048x8xf32>
    %eq3A_294 = arith.constant 1 : i32
    %eq3A_295 = vector.broadcast %eq3A_294 : i32 to vector<2048x8xi32>
    %eq3A_296 = arith.cmpi eq, %convert_element_type3A_288, %eq3A_295 : vector<2048x8xi32>
    %convert_element_type3A_297 = arith.extui %eq3A_296 : vector<2048x8xi1> to vector<2048x8xi32>
    %convert_element_type3A_298 = arith.sitofp %convert_element_type3A_297 : vector<2048x8xi32> to vector<2048x8xf32>
    %mul3A = arith.mulf %logistic3A_10, %convert_element_type3A_293 : vector<2048x8xf32>
    %reduce_sum3A = arith.constant dense<0.000000e+00> : vector<2048xf32>
    %reduce_sum3A_299 = vector.multi_reduction <add>, %mul3A, %reduce_sum3A [1] : vector<2048x8xf32> to vector<2048xf32>
    %broadcast_in_dim3A_300 = vector.shape_cast %reduce_sum3A_299 : vector<2048xf32> to vector<2048x1xf32>
    %mul3A_301 = arith.mulf %logistic3A_10, %convert_element_type3A_298 : vector<2048x8xf32>
    %reduce_sum3A_302 = arith.constant dense<0.000000e+00> : vector<2048xf32>
    %reduce_sum3A_303 = vector.multi_reduction <add>, %mul3A_301, %reduce_sum3A_302 [1] : vector<2048x8xf32> to vector<2048xf32>
    %broadcast_in_dim3A_304 = vector.shape_cast %reduce_sum3A_303 : vector<2048xf32> to vector<2048x1xf32>
    %squeeze3A = vector.shape_cast %broadcast_in_dim3A_300 : vector<2048x1xf32> to vector<2048xf32>
    %squeeze3A_305 = vector.shape_cast %broadcast_in_dim3A_304 : vector<2048x1xf32> to vector<2048xf32>
    %add3A_306 = arith.addf %squeeze3A, %squeeze3A_305 : vector<2048xf32>
    %add3A_307 = arith.constant 9.99999968E-21 : f32
    %add3A_308 = vector.broadcast %add3A_307 : f32 to vector<2048xf32>
    %add3A_309 = arith.addf %add3A_306, %add3A_308 : vector<2048xf32>
    %reshape3A = vector.shape_cast %add3A_309 : vector<2048xf32> to vector<2048x1xf32>
    %div3A_310 = arith.divf %broadcast_in_dim3A_300, %reshape3A : vector<2048x1xf32>
    %mul3A_311 = arith.constant 2.500000e+00 : f32
    %mul3A_312 = vector.broadcast %mul3A_311 : f32 to vector<2048x1xf32>
    %mul3A_313 = arith.mulf %div3A_310, %mul3A_312 : vector<2048x1xf32>
    %swap3A = arith.constant 0 : index
    %swap3A_314 = arith.constant 0 : index
    %swap3A_315 = vector.load %arg4[%swap3A, %swap3A_314] : memref<2048x1xf32, #tpu.memory_space<vmem>>, vector<2048x1xf32>
    tpu.vector_store %arg4[%swap3A, %swap3A_314], %mul3A_313 {strides = array<i32>} : memref<2048x1xf32, #tpu.memory_space<vmem>>, vector<2048x1xf32>,
    %div3A_316 = arith.divf %broadcast_in_dim3A_304, %reshape3A : vector<2048x1xf32>
    %mul3A_317 = arith.constant 2.500000e+00 : f32
    %mul3A_318 = vector.broadcast %mul3A_317 : f32 to vector<2048x1xf32>
    %mul3A_319 = arith.mulf %div3A_316, %mul3A_318 : vector<2048x1xf32>
    %swap3A_320 = arith.constant 0 : index
    %swap3A_321 = arith.constant 0 : index
    %swap3A_322 = vector.load %arg5[%swap3A_320, %swap3A_321] : memref<2048x1xf32, #tpu.memory_space<vmem>>, vector<2048x1xf32>
    tpu.vector_store %arg5[%swap3A_320, %swap3A_321], %mul3A_319 {strides = array<i32>} : memref<2048x1xf32, #tpu.memory_space<vmem>>, vector<2048x1xf32>,
    %lt3A_323 = arith.constant 2 : i32
    %lt3A_324 = vector.broadcast %lt3A_323 : i32 to vector<2048x8xi32>
    %lt3A_325 = arith.cmpi slt, %convert_element_type3A_288, %lt3A_324 : vector<2048x8xi32>
    %convert_element_type3A_326 = arith.extui %lt3A_325 : vector<2048x8xi1> to vector<2048x8xi32>
    %convert_element_type3A_327 = arith.sitofp %convert_element_type3A_326 : vector<2048x8xi32> to vector<2048x8xf32>
    %reduce_sum3A_328 = arith.constant dense<0.000000e+00> : vector<8xf32>
    %reduce_sum3A_329 = vector.multi_reduction <add>, %convert_element_type3A_327, %reduce_sum3A_328 [0] : vector<2048x8xf32> to vector<8xf32>
    %broadcast_in_dim3A_330 = vector.shape_cast %reduce_sum3A_329 : vector<8xf32> to vector<1x8xf32>
    %add3A_331 = arith.constant 2.550000e+02 : f32
    %add3A_332 = vector.broadcast %add3A_331 : f32 to vector<1x8xf32>
    %add3A_333 = arith.addf %broadcast_in_dim3A_330, %add3A_332 : vector<1x8xf32>
    %div3A_334 = arith.constant 2.560000e+02 : f32
    %div3A_335 = vector.broadcast %div3A_334 : f32 to vector<1x8xf32>
    %div3A_336 = arith.divf %add3A_333, %div3A_335 : vector<1x8xf32>
    %floor3A = math.floor %div3A_336 : vector<1x8xf32>
    %mul3A_337 = arith.constant 2.560000e+02 : f32
    %mul3A_338 = vector.broadcast %mul3A_337 : f32 to vector<1x8xf32>
    %mul3A_339 = arith.mulf %floor3A, %mul3A_338 : vector<1x8xf32>
    %iota3A_340 = tpu.iota {dimensions = array<i32: 0>} : vector<8x8xi32>
    %iota3A_341 = tpu.iota {dimensions = array<i32: 1>} : vector<8x8xi32>
    %lt3A_342 = arith.cmpi slt, %iota3A_340, %iota3A_341 : vector<8x8xi32>
    %convert_element_type3A_343 = arith.extui %lt3A_342 : vector<8x8xi1> to vector<8x8xi32>
    %convert_element_type3A_344 = arith.sitofp %convert_element_type3A_343 : vector<8x8xi32> to vector<8x8xf32>
    %dot_general3A_345 = arith.constant dense<0.000000e+00> : vector<1x8xf32>
    %dot_general3A_346 = tpu.matmul %mul3A_339, %convert_element_type3A_344, %dot_general3A_345 {dimension_numbers = #tpu.dot_dimension_numbers<[1], [0], [0], [1], [0, 0, 1, 1], [], []>, precision = #tpu.contract_precision<fp32>, transpose_lhs_hint = false} : vector<1x8xf32>, vector<8x8xf32>, vector<1x8xf32> -> vector<1x8xf32>
    %iota3A_347 = tpu.iota {dimensions = array<i32: 0>} : vector<512x512xi32>
    %iota3A_348 = tpu.iota {dimensions = array<i32: 1>} : vector<512x512xi32>
    %ge3A = arith.cmpi sge, %iota3A_347, %iota3A_348 : vector<512x512xi32>
    %convert_element_type3A_349 = arith.extui %ge3A : vector<512x512xi1> to vector<512x512xi32>
    %convert_element_type3A_350 = arith.sitofp %convert_element_type3A_349 : vector<512x512xi32> to vector<512x512xf32>
    %broadcast_in_dim3A_351 = arith.constant 0.000000e+00 : f32
    %broadcast_in_dim3A_352 = vector.broadcast %broadcast_in_dim3A_351 : f32 to vector<1x8xf32>
    %slice3A_353 = vector.extract_strided_slice %convert_element_type3A_327 {offsets = [0, 0], sizes = [512, 8], strides = [1, 1]} : vector<2048x8xf32> to vector<512x8xf32>
    %dot_general3A_354 = arith.constant dense<0.000000e+00> : vector<512x8xf32>
    %dot_general3A_355 = tpu.matmul %convert_element_type3A_350, %slice3A_353, %dot_general3A_354 {dimension_numbers = #tpu.dot_dimension_numbers<[1], [0], [0], [1], [0, 0, 1, 1], [], []>, transpose_lhs_hint = false} : vector<512x512xf32>, vector<512x8xf32>, vector<512x8xf32> -> vector<512x8xf32>
    %add3A_356 = vector.broadcast %broadcast_in_dim3A_352 : vector<1x8xf32> to vector<512x8xf32>
    %add3A_357 = arith.addf %dot_general3A_355, %add3A_356 : vector<512x8xf32>
    %reduce_sum3A_358 = arith.constant dense<0.000000e+00> : vector<8xf32>
    %reduce_sum3A_359 = vector.multi_reduction <add>, %slice3A_353, %reduce_sum3A_358 [0] : vector<512x8xf32> to vector<8xf32>
    %broadcast_in_dim3A_360 = vector.shape_cast %reduce_sum3A_359 : vector<8xf32> to vector<1x8xf32>
    %add3A_361 = arith.addf %broadcast_in_dim3A_352, %broadcast_in_dim3A_360 : vector<1x8xf32>
    %slice3A_362 = vector.extract_strided_slice %convert_element_type3A_327 {offsets = [512, 0], sizes = [512, 8], strides = [1, 1]} : vector<2048x8xf32> to vector<512x8xf32>
    %dot_general3A_363 = arith.constant dense<0.000000e+00> : vector<512x8xf32>
    %dot_general3A_364 = tpu.matmul %convert_element_type3A_350, %slice3A_362, %dot_general3A_363 {dimension_numbers = #tpu.dot_dimension_numbers<[1], [0], [0], [1], [0, 0, 1, 1], [], []>, transpose_lhs_hint = false} : vector<512x512xf32>, vector<512x8xf32>, vector<512x8xf32> -> vector<512x8xf32>
    %add3A_365 = vector.broadcast %add3A_361 : vector<1x8xf32> to vector<512x8xf32>
    %add3A_366 = arith.addf %dot_general3A_364, %add3A_365 : vector<512x8xf32>
    %reduce_sum3A_367 = arith.constant dense<0.000000e+00> : vector<8xf32>
    %reduce_sum3A_368 = vector.multi_reduction <add>, %slice3A_362, %reduce_sum3A_367 [0] : vector<512x8xf32> to vector<8xf32>
    %broadcast_in_dim3A_369 = vector.shape_cast %reduce_sum3A_368 : vector<8xf32> to vector<1x8xf32>
    %add3A_370 = arith.addf %add3A_361, %broadcast_in_dim3A_369 : vector<1x8xf32>
    %slice3A_371 = vector.extract_strided_slice %convert_element_type3A_327 {offsets = [1024, 0], sizes = [512, 8], strides = [1, 1]} : vector<2048x8xf32> to vector<512x8xf32>
    %dot_general3A_372 = arith.constant dense<0.000000e+00> : vector<512x8xf32>
    %dot_general3A_373 = tpu.matmul %convert_element_type3A_350, %slice3A_371, %dot_general3A_372 {dimension_numbers = #tpu.dot_dimension_numbers<[1], [0], [0], [1], [0, 0, 1, 1], [], []>, transpose_lhs_hint = false} : vector<512x512xf32>, vector<512x8xf32>, vector<512x8xf32> -> vector<512x8xf32>
    %add3A_374 = vector.broadcast %add3A_370 : vector<1x8xf32> to vector<512x8xf32>
    %add3A_375 = arith.addf %dot_general3A_373, %add3A_374 : vector<512x8xf32>
    %reduce_sum3A_376 = arith.constant dense<0.000000e+00> : vector<8xf32>
    %reduce_sum3A_377 = vector.multi_reduction <add>, %slice3A_371, %reduce_sum3A_376 [0] : vector<512x8xf32> to vector<8xf32>
    %broadcast_in_dim3A_378 = vector.shape_cast %reduce_sum3A_377 : vector<8xf32> to vector<1x8xf32>
    %add3A_379 = arith.addf %add3A_370, %broadcast_in_dim3A_378 : vector<1x8xf32>
    %slice3A_380 = vector.extract_strided_slice %convert_element_type3A_327 {offsets = [1536, 0], sizes = [512, 8], strides = [1, 1]} : vector<2048x8xf32> to vector<512x8xf32>
    %dot_general3A_381 = arith.constant dense<0.000000e+00> : vector<512x8xf32>
    %dot_general3A_382 = tpu.matmul %convert_element_type3A_350, %slice3A_380, %dot_general3A_381 {dimension_numbers = #tpu.dot_dimension_numbers<[1], [0], [0], [1], [0, 0, 1, 1], [], []>, transpose_lhs_hint = false} : vector<512x512xf32>, vector<512x8xf32>, vector<512x8xf32> -> vector<512x8xf32>
    %add3A_383 = vector.broadcast %add3A_379 : vector<1x8xf32> to vector<512x8xf32>
    %add3A_384 = arith.addf %dot_general3A_382, %add3A_383 : vector<512x8xf32>
    %concatenate3A_385 = tpu.concatenate %add3A_357, %add3A_366, %add3A_375, %add3A_384 in 0 : vector<512x8xf32>, vector<512x8xf32>, vector<512x8xf32>, vector<512x8xf32> -> vector<2048x8xf32>
    %sub3A_386 = arith.subf %concatenate3A_385, %convert_element_type3A_327 : vector<2048x8xf32>
    %add3A_387 = vector.broadcast %dot_general3A_346 : vector<1x8xf32> to vector<2048x8xf32>
    %add3A_388 = arith.addf %sub3A_386, %add3A_387 : vector<2048x8xf32>
    %mul3A_389 = arith.mulf %add3A_388, %convert_element_type3A_293 : vector<2048x8xf32>
    %reduce_sum3A_390 = arith.constant dense<0.000000e+00> : vector<2048xf32>
    %reduce_sum3A_391 = vector.multi_reduction <add>, %mul3A_389, %reduce_sum3A_390 [1] : vector<2048x8xf32> to vector<2048xf32>
    %broadcast_in_dim3A_392 = vector.shape_cast %reduce_sum3A_391 : vector<2048xf32> to vector<2048x1xf32>
    %mul3A_393 = arith.mulf %add3A_388, %convert_element_type3A_298 : vector<2048x8xf32>
    %reduce_sum3A_394 = arith.constant dense<0.000000e+00> : vector<2048xf32>
    %reduce_sum3A_395 = vector.multi_reduction <add>, %mul3A_393, %reduce_sum3A_394 [1] : vector<2048x8xf32> to vector<2048xf32>
    %broadcast_in_dim3A_396 = vector.shape_cast %reduce_sum3A_395 : vector<2048xf32> to vector<2048x1xf32>
    %concatenate3A_397 = tpu.concatenate %broadcast_in_dim3A_392, %broadcast_in_dim3A_396 in 0 : vector<2048x1xf32>, vector<2048x1xf32> -> vector<4096x1xf32>
    %convert_element_type3A_398 = arith.fptosi %concatenate3A_397 : vector<4096x1xf32> to vector<4096x1xi32>
    %swap3A_399 = arith.constant 0 : index
    %swap3A_400 = arith.constant 0 : index
    %swap3A_401 = vector.load %arg3[%swap3A_399, %swap3A_400] : memref<4096x1xi32, #tpu.memory_space<vmem>>, vector<4096x1xi32>
    tpu.vector_store %arg3[%swap3A_399, %swap3A_400], %convert_element_type3A_398 {strides = array<i32>} : memref<4096x1xi32, #tpu.memory_space<vmem>>, vector<4096x1xi32>,
    %add3A_402 = arith.addf %dot_general3A_346, %mul3A_339 : vector<1x8xf32>
    %add3A_403 = arith.addf %dot_general3A_346, %broadcast_in_dim3A_330 : vector<1x8xf32>
    %iota3A_404 = tpu.iota {dimensions = array<i32: 0>} : vector<24x1xi32>
    %mul3A_405 = arith.constant 256 : i32
    %mul3A_406 = vector.broadcast %mul3A_405 : i32 to vector<24x1xi32>
    %mul3A_407 = arith.muli %iota3A_404, %mul3A_406 : vector<24x1xi32>
    %convert_element_type3A_408 = arith.sitofp %mul3A_407 : vector<24x1xi32> to vector<24x1xf32>
    %ge3A_409 = vector.broadcast %convert_element_type3A_408 : vector<24x1xf32> to vector<24x8xf32>
    %ge3A_410 = vector.broadcast %add3A_402 : vector<1x8xf32> to vector<24x8xf32>
    %ge3A_411 = arith.cmpf oge, %ge3A_409, %ge3A_410 : vector<24x8xf32>
    %convert_element_type3A_412 = arith.extui %ge3A_411 : vector<24x8xi1> to vector<24x8xi32>
    %reduce_sum3A_413 = arith.constant dense<0> : vector<24xi32>
    %reduce_sum3A_414 = vector.multi_reduction <add>, %convert_element_type3A_412, %reduce_sum3A_413 [1] : vector<24x8xi32> to vector<24xi32>
    %broadcast_in_dim3A_415 = vector.shape_cast %reduce_sum3A_414 : vector<24xi32> to vector<24x1xi32>
    %min3A = arith.constant 7 : i32
    %min3A_416 = vector.broadcast %min3A : i32 to vector<24x1xi32>
    %min3A_417 = arith.minsi %broadcast_in_dim3A_415, %min3A_416 : vector<24x1xi32>
    %iota3A_418 = tpu.iota {dimensions = array<i32: 1>} : vector<24x8xi32>
    %eq3A_419 = vector.broadcast %min3A_417 : vector<24x1xi32> to vector<24x8xi32>
    %eq3A_420 = arith.cmpi eq, %iota3A_418, %eq3A_419 : vector<24x8xi32>
    %lt3A_421 = vector.broadcast %convert_element_type3A_408 : vector<24x1xf32> to vector<24x8xf32>
    %lt3A_422 = vector.broadcast %add3A_403 : vector<1x8xf32> to vector<24x8xf32>
    %lt3A_423 = arith.cmpf olt, %lt3A_421, %lt3A_422 : vector<24x8xf32>
    %and3A_424 = arith.andi %eq3A_420, %lt3A_423 : vector<24x8xi1>
    %convert_element_type3A_425 = arith.extui %and3A_424 : vector<24x8xi1> to vector<24x8xi32>
    %reduce_sum3A_426 = arith.constant dense<0> : vector<24xi32>
    %reduce_sum3A_427 = vector.multi_reduction <add>, %convert_element_type3A_425, %reduce_sum3A_426 [1] : vector<24x8xi32> to vector<24xi32>
    %broadcast_in_dim3A_428 = vector.shape_cast %reduce_sum3A_427 : vector<24xi32> to vector<24x1xi32>
    %swap3A_429 = arith.constant 0 : index
    %swap3A_430 = arith.constant 0 : index
    %swap3A_431 = vector.load %arg6[%swap3A_429, %swap3A_430] : memref<24x1xi32, #tpu.memory_space<vmem>>, vector<24x1xi32>
    tpu.vector_store %arg6[%swap3A_429, %swap3A_430], %min3A_417 {strides = array<i32>} : memref<24x1xi32, #tpu.memory_space<vmem>>, vector<24x1xi32>,
    %swap3A_432 = arith.constant 0 : index
    %swap3A_433 = arith.constant 0 : index
    %swap3A_434 = vector.load %arg7[%swap3A_432, %swap3A_433] : memref<24x1xi32, #tpu.memory_space<vmem>>, vector<24x1xi32>
    tpu.vector_store %arg7[%swap3A_432, %swap3A_433], %broadcast_in_dim3A_428 {strides = array<i32>} : memref<24x1xi32, #tpu.memory_space<vmem>>, vector<24x1xi32>,
    return
  }
}

module attributes {stable_mosaic.version = 14 : i64} {
  func.func @_add_body(%arg0: i32, %arg1: memref<512x1024xf32, #tpu.memory_space<vmem>>, %arg2: memref<512x1024xf32, #tpu.memory_space<vmem>>, %arg3: memref<512x1024xf32, #tpu.memory_space<vmem>>, %arg4: memref<512x1xf32, #tpu.memory_space<vmem>>, %arg5: memref<512x1xf32, #tpu.memory_space<vmem>>, %arg6: memref<512x1024xf32, #tpu.memory_space<vmem>>) attributes {dimension_semantics = [#tpu.dimension_semantics<arbitrary>], iteration_bounds = array<i64: 4>, scalar_prefetch = 0 : i64, scratch_operands = 0 : i64, tpu.core_type = #tpu.core_type<tc>, window_params = [{transform_indices = @transform_0, window_bounds = array<i64: 512, 1024>}, {transform_indices = @transform_1, window_bounds = array<i64: 512, 1024>}, {transform_indices = @transform_2, window_bounds = array<i64: 512, 1024>}, {transform_indices = @transform_3, window_bounds = array<i64: 512, 1>}, {transform_indices = @transform_4, window_bounds = array<i64: 512, 1>}, {transform_indices = @transform_5, window_bounds = array<i64: 512, 1024>}]} {
    %get3A = arith.constant 0 : index
    %get3A_0 = arith.constant 0 : index
    %get3A_1 = vector.load %arg1[%get3A, %get3A_0] : memref<512x1024xf32, #tpu.memory_space<vmem>>, vector<512x1024xf32>
    %get3A_2 = arith.constant 0 : index
    %get3A_3 = arith.constant 0 : index
    %get3A_4 = vector.load %arg2[%get3A_2, %get3A_3] : memref<512x1024xf32, #tpu.memory_space<vmem>>, vector<512x1024xf32>
    %get3A_5 = arith.constant 0 : index
    %get3A_6 = arith.constant 0 : index
    %get3A_7 = vector.load %arg4[%get3A_5, %get3A_6] : memref<512x1xf32, #tpu.memory_space<vmem>>, vector<512x1xf32>
    %mul3A = vector.broadcast %get3A_7 : vector<512x1xf32> to vector<512x1024xf32>
    %mul3A_8 = arith.mulf %get3A_4, %mul3A : vector<512x1024xf32>
    %add3A = arith.addf %get3A_1, %mul3A_8 : vector<512x1024xf32>
    %get3A_9 = arith.constant 0 : index
    %get3A_10 = arith.constant 0 : index
    %get3A_11 = vector.load %arg3[%get3A_9, %get3A_10] : memref<512x1024xf32, #tpu.memory_space<vmem>>, vector<512x1024xf32>
    %get3A_12 = arith.constant 0 : index
    %get3A_13 = arith.constant 0 : index
    %get3A_14 = vector.load %arg5[%get3A_12, %get3A_13] : memref<512x1xf32, #tpu.memory_space<vmem>>, vector<512x1xf32>
    %mul3A_15 = vector.broadcast %get3A_14 : vector<512x1xf32> to vector<512x1024xf32>
    %mul3A_16 = arith.mulf %get3A_11, %mul3A_15 : vector<512x1024xf32>
    %add3A_17 = arith.addf %add3A, %mul3A_16 : vector<512x1024xf32>
    %swap3A = arith.constant 0 : index
    %swap3A_18 = arith.constant 0 : index
    %swap3A_19 = vector.load %arg6[%swap3A, %swap3A_18] : memref<512x1024xf32, #tpu.memory_space<vmem>>, vector<512x1024xf32>
    tpu.vector_store %arg6[%swap3A, %swap3A_18], %add3A_17 {strides = array<i32>} : memref<512x1024xf32, #tpu.memory_space<vmem>>, vector<512x1024xf32>,
    return
  }
  func.func @transform_0(%arg0: i32) -> (i32, i32) {
    %c0_i32 = arith.constant 0 : i32
    %c0_i32_0 = arith.constant 0 : i32
    return %arg0, %c0_i32 : i32, i32
  }
  func.func @transform_1(%arg0: i32) -> (i32, i32) {
    %c0_i32 = arith.constant 0 : i32
    %c0_i32_0 = arith.constant 0 : i32
    return %arg0, %c0_i32 : i32, i32
  }
  func.func @transform_2(%arg0: i32) -> (i32, i32) {
    %c0_i32 = arith.constant 0 : i32
    %c0_i32_0 = arith.constant 0 : i32
    return %arg0, %c0_i32 : i32, i32
  }
  func.func @transform_3(%arg0: i32) -> (i32, i32) {
    %c0_i32 = arith.constant 0 : i32
    %c0_i32_0 = arith.constant 0 : i32
    return %arg0, %c0_i32 : i32, i32
  }
  func.func @transform_4(%arg0: i32) -> (i32, i32) {
    %c0_i32 = arith.constant 0 : i32
    %c0_i32_0 = arith.constant 0 : i32
    return %arg0, %c0_i32 : i32, i32
  }
  func.func @transform_5(%arg0: i32) -> (i32, i32) {
    %c0_i32 = arith.constant 0 : i32
    %c0_i32_0 = arith.constant 0 : i32
    return %arg0, %c0_i32 : i32, i32
  }
}

</mosaic_0001>

<sc_bundles>
// kernel: kernel.11.cloned.1.call-start
scs
__scs_entry_jumppad:
0x0: {  	(pc) =	sbr.rel $0x88, $3  }
0x1: {  	(tag) =	ssettag $0x0;
	lr =	simm.s32 $0x1  }
0x2: {  	[smem:$0x3F9A] =	sst lr;
	_ =	strace $0xD0000000  }
0x3: {  	_ = 	snop  }
0x4: {  	_ = 	snop  }
0x5: {  	_ = 	snop  }
0x6: {  	_ = 	snop  }
0x7: {  	_ = 	snop  }
__scs_overlays_trampoline_lowered:
0x8: {  	[smem:$0x3FA9] =	sst s0  }
0x9: {  	[smem:$0x3FAA] =	sst s1  }
0xa: {  	[smem:$0x3FAB] =	sst s2  }
0xb: {  	[smem:$0x3FAC] =	sst s3  }
0xc: {  	[smem:$0x3FAD] =	sst s4  }
0xd: {  	[smem:$0x3FAE] =	sst s5  }
0xe: {  	[smem:$0x3FAF] =	sst s6  }
0xf: {  	[smem:$0x3FB0] =	sst s7  }
0x10: {  	[smem:$0x3FB1] =	sst s8  }
0x11: {  	[smem:$0x3FB2] =	sst s9;
	s0 =	simm.s32 @!p0 $0x0  }
0x12: {  	s1 =	sld [smem:$0x3F98];
	s0 =	simm.s32 @p0 $0x1  }
0x13: {  	[smem:$0x3FB3] =	sst s0;
	s0 =	simm.s32 @!p1 $0x0  }
0x14: {  	s2 =	sld [smem:$0x3F97];
	s0 =	simm.s32 @p1 $0x1  }
0x15: {  	[smem:$0x3FB4] =	sst s0;
	s0 =	simm.s32 @!p2 $0x0  }
0x16: {  	s3 =	sld [smem:$0x3FDB];
	s0 =	simm.s32 @p2 $0x1  }
0x17: {  	s4 =	simm.s32 $0x1BF5;
	[smem:$0x3FB6] =	sst s0  }
0x18: {  	s0 =	sld [smem:$0x3F99];
	_ =	swait.ge [sflag:s4], $0x0  }
0x19: {  	s7 =	sld [smem:$0x3F9A]  }
0x1a: {  	s8 =	sadd.s32 $0xFFFFE003, lr  }
0x1b: {  	s9 =	sadd.s32 $0xFFFFFEF7, lr;
	s5 =	simm.s32 $0xFFFFFFFF;
	p2 =	slt.u32 s8, $0xFFFFF086  }
0x1c: {  	p1 =	slt.u32 s9, $0xF7A;
	s5 =	simm.s32 @!p2 $0x0  }
0x1d: {  	s5 =	simm.s32 @p1 $0x1;
	p0 =	seq.s32 s7, s2  }
0x1e: {  	s7 =	smul.u32 @!p0 $0xF7A, s2;
	p2 =	seq.s32 @!p0 s5, $0x0  }
0x1f: {  	s9 =	smul.u32 $0xF7A, s1;
	s8 =	simm.s32 @!p0 $0x1BF5;
	p2 =	por !p2, p0  }
0x20: {  	[sflag:s8] =	ssyncset.s32 @!p0 $0xFFFFF086;
	s6 =	sadd.s32 @!p0 s3, s7;
	s7 =	simm.s32 @!p0 $0x108  }
0x21: {  	s3 =	sadd.s32 s3, s9;
	s6 =	sadd.s32 @!p0 $0x88, s6;
	s7 =	simm.s32 @p2 $0x1082  }
0x22: {  	[simem:s7], [sflag:s8] =	dma.local @!p0 [hbm:s6], $0xF7A  }
0x23: {  	s9 =	sor.u32 $0xD0000000, s2;
	s6 =	simm.s32 $0x108;
	_ =	swait.ge @!p0 [sflag:s8], $0x0  }
0x24: {  	s3 =	sadd.s32 $0x88, s3;
	s6 =	simm.s32 @!p1 $0x1082;
	[sflag:s4] =	ssyncset.s32 $0xFFFFF086  }
0x25: {  	[simem:s6], [sflag:s4] =	dma.local [hbm:s3], $0xF7A  }
0x26: {  	[smem:$0x3F9A] =	sst s1;
	(tag) =	ssettag s2;
	_ =	strace s9  }
0x27: {  	s1 =	sld [smem:$0x3FAA]  }
0x28: {  	s2 =	sld [smem:$0x3FAB]  }
0x29: {  	s4 =	sld [smem:$0x3FAD]  }
0x2a: {  	p0 =	seq.s32 s5, $0x0;
	s5 =	sld [smem:$0x3FAE]  }
0x2b: {  	s6 =	sld [smem:$0x3FAF]  }
0x2c: {  	s7 =	sld [smem:$0x3FB0]  }
0x2d: {  	s3 =	simm.s32 $0x108;
	s8 =	sld [smem:$0x3FB1]  }
0x2e: {  	s3 =	simm.s32 @!p0 $0x1082;
	s9 =	sld [smem:$0x3FB2]  }
0x2f: {  	lr =	sadd.s32 s0, s3;
	s0 =	sld [smem:$0x3FA9]  }
0x30: {  	s3 =	sld [smem:$0x3FAC]  }
0x31: {  	[smem:$0x3FB5] =	sst s10  }
0x32: {  	s10 =	sld [smem:$0x3FB3];
	_ =	sdelay $0x3  }
0x33: {  	p0 =	seq.s32 s10, $0x1;
	s10 =	sld [smem:$0x3FB5];
	_ =	sdelay $0x3  }
0x34: {  	[smem:$0x3FB5] =	sst s10  }
0x35: {  	s10 =	sld [smem:$0x3FB4];
	_ =	sdelay $0x3  }
0x36: {  	p1 =	seq.s32 s10, $0x1;
	s10 =	sld [smem:$0x3FB5];
	_ =	sdelay $0x3  }
0x37: {  	[smem:$0x3FB5] =	sst s10  }
0x38: {  	s10 =	sld [smem:$0x3FB6]  }
0x39: {  	_ = 	snop;
	(pc) =	sbr.ind lr, $3  }
0x3a: {  	_ = 	snop  }
0x3b: {  	_ = 	snop  }
0x3c: {  	p2 =	seq.s32 s10, $0x1;
	s10 =	sld [smem:$0x3FB5]  }
0x3d: {  	_ =	shalt  }
0x3e: {  	_ =	shalt  }
0x3f: {  	_ =	shalt  }
0x40: {  	_ =	shalt  }
0x41: {  	_ =	shalt  }
0x42: {  	_ =	shalt  }
0x43: {  	_ =	shalt  }
0x44: {  	_ =	shalt  }
0x45: {  	_ =	shalt  }
0x46: {  	_ =	shalt  }
0x47: {  	_ =	shalt  }
0x48: {  	_ =	shalt  }
0x49: {  	_ =	shalt  }
0x4a: {  	_ =	shalt  }
0x4b: {  	_ =	shalt  }
0x4c: {  	_ =	shalt  }
0x4d: {  	_ =	shalt  }
0x4e: {  	_ =	shalt  }
0x4f: {  	_ =	shalt  }
0x50: {  	_ =	shalt  }
0x51: {  	_ =	shalt  }
0x52: {  	_ =	shalt  }
0x53: {  	_ =	shalt  }
0x54: {  	_ =	shalt  }
0x55: {  	_ =	shalt  }
0x56: {  	_ =	shalt  }
0x57: {  	_ =	shalt  }
0x58: {  	_ =	shalt  }
0x59: {  	_ =	shalt  }
0x5a: {  	_ =	shalt  }
0x5b: {  	_ =	shalt  }
0x5c: {  	_ =	shalt  }
0x5d: {  	_ =	shalt  }
0x5e: {  	_ =	shalt  }
0x5f: {  	_ =	shalt  }
0x60: {  	_ =	shalt  }
0x61: {  	_ =	shalt  }
0x62: {  	_ =	shalt  }
0x63: {  	_ =	shalt  }
0x64: {  	_ =	shalt  }
0x65: {  	_ =	shalt  }
0x66: {  	_ =	shalt  }
0x67: {  	_ =	shalt  }
0x68: {  	_ =	shalt  }
0x69: {  	_ =	shalt  }
0x6a: {  	_ =	shalt  }
0x6b: {  	_ =	shalt  }
0x6c: {  	_ =	shalt  }
0x6d: {  	_ =	shalt  }
0x6e: {  	_ =	shalt  }
0x6f: {  	_ =	shalt  }
0x70: {  	_ =	shalt  }
0x71: {  	_ =	shalt  }
0x72: {  	_ =	shalt  }
0x73: {  	_ =	shalt  }
0x74: {  	_ =	shalt  }
0x75: {  	_ =	shalt  }
0x76: {  	_ =	shalt  }
0x77: {  	_ =	shalt  }
0x78: {  	_ =	shalt  }
0x79: {  	_ =	shalt  }
0x7a: {  	_ =	shalt  }
0x7b: {  	_ =	shalt  }
0x7c: {  	_ =	shalt  }
0x7d: {  	_ =	shalt  }
0x7e: {  	_ =	shalt  }
0x7f: {  	_ =	shalt  }
0x80: {  	_ =	shalt  }
0x81: {  	_ =	shalt  }
0x82: {  	_ =	shalt  }
0x83: {  	_ =	shalt  }
0x84: {  	_ =	shalt  }
0x85: {  	_ =	shalt  }
0x86: {  	_ =	shalt  }
0x87: {  	_ =	shalt  }
.Lfunc_end0:
.L_simem_size_0:
called_computation.1_lowered:
.L_overlay_start_0:
0x88: {  	s2 =	sld [smem:$0x3FD9]  }
0x89: {  	s3 =	sld [smem:$0x3FFE];
	_ =	sdelay $0x1  }
0x8a: {  	s1 =	srdreg.scid  }
0x8b: {  	s0 =	sand.u32 $0x1, s1  }
0x8c: {  	s16 =	sshll.u32 s0, $0xA;
	s2 =	sadd.s32 s3, s2  }
0x8d: {  	s2 =	sadd.s32 s2, s16  }
0x8e: {  	[smem:$0x3FC1] =	sst s2  }
0x8f: {  	_ = 	snop  }
0x90: {  	(tm) =	ssettm $0x1  }
0x91: {  	s17 =	sld [smem:$0x3FFB];
	_ =	sdelay $0x3  }
0x92: {  	_ =	strace s17  }
0x93: {  	s2 =	sld [smem:$0x3FFC];
	_ =	sdelay $0x3  }
0x94: {  	_ =	strace s2  }
0x95: {  	s2 =	sld [smem:$0x3FFD];
	_ =	sdelay $0x3  }
0x96: {  	_ =	strace s2  }
0x97: {  	_ =	strace $0x8FFFFFFF  }
0x98: {  	s18 =	sld [smem:$0x3FDB];
	_ =	sdelay $0x1  }
0x99: {  	s19 =	simm.s32 $_scs_section_size  }
0x9a: {  	s4 =	simm.s32 $_size__tile_overlayer_lowered;
	s5 =	simm.s32 $_tile_overlayer_lowered  }
0x9b: {  	s22 =	simm.s32 $0x1BFF;
	s21 =	sshll.u32 s5, $0x1;
	s2 =	sadd.s32 s19, s18  }
0x9c: {  	s6 =	simm.s32 $0x0;
	s20 =	sshll.u32 s4, $0x1;
	s4 =	sadd.s32 s21, s2  }
0x9d: {  	[timem:s6], [sflag:s22] =	dma.local [hbm:s4], s20  }
0x9e: {  	_ =	swait.ge [sflag:s22], s20  }
0x9f: {  	s3 =	ssub.s32 $0x0, s20;
	[sflag:s22] =	ssyncset.done $0x0  }
0xa0: {  	[sflag:s22] =	ssyncadd.s32 s3;
	_ =	sdelay $0x1  }
0xa1: {  	s23 =	simm.s32 $0x1B8B  }
0xa2: {  	_ =	swait.ge [sflag:s23], $0x1  }
0xa3: {  	[sflag:s23] =	ssyncset.done $0x0  }
0xa4: {  	s25 =	simm.s32 $0x1B8E;
	s24 =	sld [smem:$0x3FFE];
	[sflag:s23] =	ssyncadd.s32 $0xFFFFFFFF  }
0xa5: {  	s26 =	simm.s32 $execute0_lowered;
	[smem:$0x3FD2] =	sst s25  }
0xa6: {  	s4 =	sshll.u32 s26, $0x1;
	_ =	strace $0x80000049;
	[dreg:$0x1] =	wrdreg $0xFFFFFFFF  }
0xa7: {  	s28 =	simm.s32 $_size_execute0_lowered;
	s2 =	sadd.s32 s2, s4;
	[dreg:$0x0] =	wrdreg $0x0  }
0xa8: {  	s4 =	sshll.u32 s28, $0x1;
	[dreg:$0x2] =	wrdreg s2  }
0xa9: {  	[dreg:$0x3] =	wrdreg s4  }
0xaa: {  	[dreg:$0x4] =	wrdreg $0xC0  }
0xab: {  	_ =	task [dreg:s6], $0x5FFFF  }
0xac: {  	[dreg:$0x1] =	wrdreg $0xFFFFFFFF  }
0xad: {  	[dreg:$0x0] =	wrdreg $0x60  }
0xae: {  	[dreg:$0x2] =	wrdreg s24  }
0xaf: {  	[dreg:$0x3] =	wrdreg $0x9  }
0xb0: {  	_ =	task.clear_ibuf [dreg:s6], $0x4FFFF;
	_ =	strace $0x90000049  }
0xb1: {  	s29 =	simm.s32 $0x9;
	_ =	strace $0x8000004B  }
0xb2: {  	_ =	swait.ge [sflag:s29], $0x1  }
0xb3: {  	[sflag:s29] =	ssyncadd.s32 $0xFFFFFFFF  }
0xb4: {  	_ =	strace $0x9000004B  }
0xb5: {  	_ =	sfence  }
0xb6: {  	s30 =	sld [smem:$0x0];
	_ =	sdelay $0x2  }
0xb7: {  	s31 =	sshll.u32 s1, $0xD;
	s1 =	sshrl.u32 s1, $0x2  }
0xb8: {  	s3 =	sand.u32 $0x4000, s31;
	s1 =	sadd.s32 s1, s30  }
0xb9: {  	s0 =	sor.u32 s3, s0;
	s1 =	sshll.u32 s1, $0x11  }
0xba: {  	s0 =	sor.u32 s1, s0  }
0xbb: {  	s0 =	sadd.s32 $0x8F2B, s0  }
0xbc: {  	[sflag:s0] =	ssyncadd.remote.s32 $0x1  }
0xbd: {  	_ =	sfence.sel $0xFFFF  }
0xbe: {  	[dreg:$0x0] =	wrdreg $0xFFFFFFFF;
	(pc) =	sbr.abs _section_cstart, $3  }
0xbf: {  	[dreg:$0x1] =	wrdreg $0xFFFFFFFF  }
0xc0: {  	_ =	task.clear_ibuf [dreg:s6], $0x2FFFF;
	_ =	strace $0x9FFFFFFF  }
0xc1: {  	(tm) =	ssettm $0x7FFFFFFF  }
tec
execute0_lowered:
.L_overlay_start_1:
0x0: {  	(tag) =	ssettag $0x1  }
0x1: {  	s0 =	rddreg [dreg:$0x0]  }
0x2: {  	s1 =	srdreg.scid;
	s3 =	stileid.u32;
	s2 =	simm.s32 $0x0  }
0x3: {  	s26 =	simm.s32 $0x80;
	s18 =	simm.s32 $0x1;
	s21 =	simm.s32 $0x1100  }
0x4: {  	s22 =	simm.s32 $0x1900;
	s28 =	simm.s32 $0x3900;
	s29 =	simm.s32 $0x4100  }
0x5: {  	s30 =	simm.s32 $0x4900;
	s31 =	simm.s32 $0x5100;
	s10 =	simm.s32 $0x6900  }
0x6: {  	s11 =	simm.s32 $0x7100;
	s12 =	simm.s32 $0x7900;
	s13 =	simm.s32 $0x8900  }
0x7: {  	s14 =	simm.s32 $0x9100;
	s15 =	simm.s32 $0x9900;
	s16 =	simm.s32 $0xA100  }
0x8: {  	s17 =	simm.s32 $0xA900;
	s1 =	sand.u32 $0x1, s1;
	s3 =	sshll.u32 s3, $0x1  }
0x9: {  	[smem:$0x7FF] =	sst s2;
	s6 =	sadd.s32 $0x2800, s0;
	s7 =	sadd.s32 $0x42800, s0  }
0xa: {  	s4 =	sor.u32 s1, s3;
	_ =	strace $0x8000004A;
	s3 =	sadd.s32 $0xC2800, s0  }
0xb: {  	s1 =	ssub.s32 $0x2, s1;
	[dreg:$0x8] =	wrdreg s26;
	s26 =	simm.s32 $0x3100  }
0xc: {  	s5 =	sshll.u32 s4, $0x4;
	s8 =	sshrl.u32 s1, $0x1;
	s4 =	sshll.u32 s4, $0xD  }
0xd: {  	s5 =	sadd.s32 s5, s0;
	s1 =	ssub.s32 s1, s8;
	s23 =	sadd.s32 s6, s4  }
0xe: {  	s24 =	sadd.s32 s7, s4;
	s25 =	sor.u32 $0x1000, s4;
	s4 =	sadd.s32 $0xC2900, s0  }
0xf: {  	s8 =	simm.s32 $0x2;
	s9 =	sadd.s32 $0x2400, s5;
	[dreg:$0x4] =	wrdreg s23  }
0x10: {  	s5 =	sadd.s32 $0x2600, s5;
	[dreg:$0x5] =	wrdreg s24;
	s6 =	sadd.s32 s6, s25  }
0x11: {  	s7 =	sadd.s32 s7, s25;
	s25 =	simm.s32 $0x100;
	[dreg:$0x2] =	wrdreg s9  }
0x12: {  	v2 =	vlaneseq.u32;
	s23 =	simm.s32 $0x2100;
	s24 =	simm.s32 $0x2900;
	[dreg:$0x3] =	wrdreg s5  }
0x13: {  	vm0 =	vmmov $0xffff;
	v1 =	vshrl.u32 v2, $0x3;
	s5 =	sadd.s32 $0xC2A00, s0;
	[dreg:$0x6] =	wrdreg s6;
	s6 =	sadd.s32 $0xC2B00, s0  }
0x14: {  	v0 =	vand.u32 $0x7, v2;
	v2 =	vor.u32 $0x8, v2;
	v1 =	vmul.u32 $0x8, v1;
	[dreg:$0x7] =	wrdreg s7;
	s7 =	smax.u32 s1, $0x1;
	s9 =	simm.s32 $0xB100  }
.LBB2_1:
0x15: {  	s19 =	rddreg [dreg:$0x2]  }
0x16: {  	[tilespmem:s2], [sflag:$0x2] =	stream.linear.gather [hbm4b:s19+s2], $0x80, $0x38;
	[tilespmem:$0x10100] =	vst v63  }
0x17: {  	_ =	swait.ge [sflag:s8], $0x80  }
0x18: {  	s1 =	rddreg [dreg:$0x3];
	[sflag:s8] =	ssyncset.done $0x0  }
0x19: {  	s20 =	rddreg [dreg:$0x8];
	[sflag:s8] =	ssyncadd.s32 $0xFFFFFF80  }
0x1a: {  	[tilespmem:s20], [sflag:$0x2] =	stream.linear.gather [hbm4b:s1+s2], $0x80, $0x38;
	[tilespmem:$0x10100] =	vst v63  }
0x1b: {  	_ =	swait.ge [sflag:s8], $0x80  }
0x1c: {  	[sflag:s8] =	ssyncset.done $0x0  }
0x1d: {  	[sflag:s8] =	ssyncadd.s32 $0xFFFFFF80  }
0x1e: {  	v3 =	vld [tilespmem:$0x0];
	_ =	sdelay $0x4  }
0x1f: {  	v4 =	vshll.u32 v3, $0x3  }
0x20: {  	v3 =	vand.u32 $0x7, v3;
	v4 =	vand.u32 $0xFFFFFFC0, v4  }
0x21: {  	v3 =	vor.u32 v3, v4  }
0x22: {  	v4 =	vperm.xlane v3, v0;
	_ =	sdelay $0x1  }
0x23: {  	v4 =	vadd.s32 v1, v4;
	_ =	sdelay $0x4  }
0x24: {  	[tilespmem:s25], [sflag:$0x1] =	stream.indirect_vreg.gather [hbm4b:s3+s2], $0x80, v4, vm0, $0xb8;
	[tilespmem:$0x10100] =	vst v63  }
0x25: {  	s20 =	simm.s32 $0x900;
	v3 =	vperm.xlane v3, v2  }
0x26: {  	[tilespmem:s20], [sflag:$0x1] =	stream.indirect_vreg.gather [hbm4b:s4+s2], $0x80, v4, vm0, $0xb8;
	[tilespmem:$0x10100] =	vst v63  }
0x27: {  	v3 =	vadd.s32 v1, v3  }
0x28: {  	[tilespmem:s21], [sflag:$0x1] =	stream.indirect_vreg.gather [hbm4b:s5+s2], $0x80, v4, vm0, $0xb8;
	[tilespmem:$0x10100] =	vst v63  }
0x29: {  	_ = 	snop  }
0x2a: {  	[tilespmem:s22], [sflag:$0x1] =	stream.indirect_vreg.gather [hbm4b:s6+s2], $0x80, v4, vm0, $0xb8;
	[tilespmem:$0x10100] =	vst v63  }
0x2b: {  	_ = 	snop  }
0x2c: {  	[tilespmem:s23], [sflag:$0x1] =	stream.indirect_vreg.gather [hbm4b:s3+s2], $0x80, v3, vm0, $0xb8;
	[tilespmem:$0x10100] =	vst v63  }
0x2d: {  	_ = 	snop  }
0x2e: {  	[tilespmem:s24], [sflag:$0x1] =	stream.indirect_vreg.gather [hbm4b:s4+s2], $0x80, v3, vm0, $0xb8;
	[tilespmem:$0x10100] =	vst v63  }
0x2f: {  	_ = 	snop  }
0x30: {  	[tilespmem:s26], [sflag:$0x1] =	stream.indirect_vreg.gather [hbm4b:s5+s2], $0x80, v3, vm0, $0xb8;
	[tilespmem:$0x10100] =	vst v63  }
0x31: {  	_ = 	snop  }
0x32: {  	[tilespmem:s28], [sflag:$0x1] =	stream.indirect_vreg.gather [hbm4b:s6+s2], $0x80, v3, vm0, $0xb8;
	[tilespmem:$0x10100] =	vst v63  }
0x33: {  	v3 =	vld [tilespmem:$0x10];
	_ =	sdelay $0x4  }
0x34: {  	v57 =	vshll.u32 v3, $0x3  }
0x35: {  	v3 =	vand.u32 $0x7, v3;
	v4 =	vand.u32 $0xFFFFFFC0, v57  }
0x36: {  	v3 =	vor.u32 v3, v4  }
0x37: {  	v4 =	vperm.xlane v3, v0;
	_ =	sdelay $0x1  }
0x38: {  	v4 =	vadd.s32 v1, v4;
	_ =	sdelay $0x4  }
0x39: {  	[tilespmem:s29], [sflag:$0x1] =	stream.indirect_vreg.gather [hbm4b:s3+s2], $0x80, v4, vm0, $0xb8;
	[tilespmem:$0x10100] =	vst v63  }
0x3a: {  	v3 =	vperm.xlane v3, v2  }
0x3b: {  	[tilespmem:s30], [sflag:$0x1] =	stream.indirect_vreg.gather [hbm4b:s4+s2], $0x80, v4, vm0, $0xb8;
	[tilespmem:$0x10100] =	vst v63  }
0x3c: {  	v3 =	vadd.s32 v1, v3  }
0x3d: {  	[tilespmem:s31], [sflag:$0x1] =	stream.indirect_vreg.gather [hbm4b:s5+s2], $0x80, v4, vm0, $0xb8;
	[tilespmem:$0x10100] =	vst v63  }
0x3e: {  	s0 =	simm.s32 $0x5900  }
0x3f: {  	[tilespmem:s0], [sflag:$0x1] =	stream.indirect_vreg.gather [hbm4b:s6+s2], $0x80, v4, vm0, $0xb8;
	[tilespmem:$0x10100] =	vst v63  }
0x40: {  	s1 =	simm.s32 $0x6100  }
0x41: {  	[tilespmem:s1], [sflag:$0x1] =	stream.indirect_vreg.gather [hbm4b:s3+s2], $0x80, v3, vm0, $0xb8;
	[tilespmem:$0x10100] =	vst v63  }
0x42: {  	_ = 	snop  }
0x43: {  	[tilespmem:s10], [sflag:$0x1] =	stream.indirect_vreg.gather [hbm4b:s4+s2], $0x80, v3, vm0, $0xb8;
	[tilespmem:$0x10100] =	vst v63  }
0x44: {  	_ = 	snop  }
0x45: {  	[tilespmem:s11], [sflag:$0x1] =	stream.indirect_vreg.gather [hbm4b:s5+s2], $0x80, v3, vm0, $0xb8;
	[tilespmem:$0x10100] =	vst v63  }
0x46: {  	_ = 	snop  }
0x47: {  	[tilespmem:s12], [sflag:$0x1] =	stream.indirect_vreg.gather [hbm4b:s6+s2], $0x80, v3, vm0, $0xb8;
	[tilespmem:$0x10100] =	vst v63  }
0x48: {  	v3 =	vld [tilespmem:$0x80];
	_ =	sdelay $0x4  }
0x49: {  	v58 =	vshll.u32 v3, $0x3  }
0x4a: {  	v3 =	vand.u32 $0x7, v3;
	v4 =	vand.u32 $0xFFFFFFC0, v58  }
0x4b: {  	v3 =	vor.u32 v3, v4  }
0x4c: {  	v4 =	vperm.xlane v3, v0;
	_ =	sdelay $0x1  }
0x4d: {  	v4 =	vadd.s32 v1, v4;
	_ =	sdelay $0x3  }
0x4e: {  	s0 =	simm.s32 $0x8100  }
0x4f: {  	[tilespmem:s0], [sflag:$0x1] =	stream.indirect_vreg.gather [hbm4b:s3+s2], $0x80, v4, vm0, $0xb8;
	[tilespmem:$0x10100] =	vst v63  }
0x50: {  	v3 =	vperm.xlane v3, v2  }
0x51: {  	[tilespmem:s13], [sflag:$0x1] =	stream.indirect_vreg.gather [hbm4b:s4+s2], $0x80, v4, vm0, $0xb8;
	[tilespmem:$0x10100] =	vst v63  }
0x52: {  	v3 =	vadd.s32 v1, v3  }
0x53: {  	[tilespmem:s14], [sflag:$0x1] =	stream.indirect_vreg.gather [hbm4b:s5+s2], $0x80, v4, vm0, $0xb8;
	[tilespmem:$0x10100] =	vst v63  }
0x54: {  	_ = 	snop  }
0x55: {  	[tilespmem:s15], [sflag:$0x1] =	stream.indirect_vreg.gather [hbm4b:s6+s2], $0x80, v4, vm0, $0xb8;
	[tilespmem:$0x10100] =	vst v63  }
0x56: {  	_ = 	snop  }
0x57: {  	[tilespmem:s16], [sflag:$0x1] =	stream.indirect_vreg.gather [hbm4b:s3+s2], $0x80, v3, vm0, $0xb8;
	[tilespmem:$0x10100] =	vst v63  }
0x58: {  	_ = 	snop  }
0x59: {  	[tilespmem:s17], [sflag:$0x1] =	stream.indirect_vreg.gather [hbm4b:s4+s2], $0x80, v3, vm0, $0xb8;
	[tilespmem:$0x10100] =	vst v63  }
0x5a: {  	_ = 	snop  }
0x5b: {  	[tilespmem:s9], [sflag:$0x1] =	stream.indirect_vreg.gather [hbm4b:s5+s2], $0x80, v3, vm0, $0xb8;
	[tilespmem:$0x10100] =	vst v63  }
0x5c: {  	s19 =	simm.s32 $0xB900  }
0x5d: {  	[tilespmem:s19], [sflag:$0x1] =	stream.indirect_vreg.gather [hbm4b:s6+s2], $0x80, v3, vm0, $0xb8;
	[tilespmem:$0x10100] =	vst v63  }
0x5e: {  	v3 =	vld [tilespmem:$0x90];
	_ =	sdelay $0x4  }
0x5f: {  	v59 =	vshll.u32 v3, $0x3  }
0x60: {  	v3 =	vand.u32 $0x7, v3;
	v4 =	vand.u32 $0xFFFFFFC0, v59  }
0x61: {  	v3 =	vor.u32 v3, v4  }
0x62: {  	v4 =	vperm.xlane v3, v0;
	_ =	sdelay $0x1  }
0x63: {  	v4 =	vadd.s32 v1, v4;
	_ =	sdelay $0x3  }
0x64: {  	s19 =	simm.s32 $0xC100  }
0x65: {  	[tilespmem:s19], [sflag:$0x1] =	stream.indirect_vreg.gather [hbm4b:s3+s2], $0x80, v4, vm0, $0xb8;
	[tilespmem:$0x10100] =	vst v63  }
0x66: {  	v3 =	vperm.xlane v3, v2;
	s19 =	simm.s32 $0xC900  }
0x67: {  	[tilespmem:s19], [sflag:$0x1] =	stream.indirect_vreg.gather [hbm4b:s4+s2], $0x80, v4, vm0, $0xb8;
	[tilespmem:$0x10100] =	vst v63  }
0x68: {  	v3 =	vadd.s32 v1, v3;
	s19 =	simm.s32 $0xD100  }
0x69: {  	[tilespmem:s19], [sflag:$0x1] =	stream.indirect_vreg.gather [hbm4b:s5+s2], $0x80, v4, vm0, $0xb8;
	[tilespmem:$0x10100] =	vst v63  }
0x6a: {  	s19 =	simm.s32 $0xD900  }
0x6b: {  	[tilespmem:s19], [sflag:$0x1] =	stream.indirect_vreg.gather [hbm4b:s6+s2], $0x80, v4, vm0, $0xb8;
	[tilespmem:$0x10100] =	vst v63  }
0x6c: {  	s19 =	simm.s32 $0xE100  }
0x6d: {  	[tilespmem:s19], [sflag:$0x1] =	stream.indirect_vreg.gather [hbm4b:s3+s2], $0x80, v3, vm0, $0xb8;
	[tilespmem:$0x10100] =	vst v63  }
0x6e: {  	s19 =	simm.s32 $0xE900  }
0x6f: {  	[tilespmem:s19], [sflag:$0x1] =	stream.indirect_vreg.gather [hbm4b:s4+s2], $0x80, v3, vm0, $0xb8;
	[tilespmem:$0x10100] =	vst v63  }
0x70: {  	s19 =	simm.s32 $0xF100  }
0x71: {  	[tilespmem:s19], [sflag:$0x1] =	stream.indirect_vreg.gather [hbm4b:s5+s2], $0x80, v3, vm0, $0xb8;
	[tilespmem:$0x10100] =	vst v63  }
0x72: {  	s19 =	simm.s32 $0xF900  }
0x73: {  	[tilespmem:s19], [sflag:$0x1] =	stream.indirect_vreg.gather [hbm4b:s6+s2], $0x80, v3, vm0, $0xb8;
	[tilespmem:$0x10100] =	vst v63  }
0x74: {  	_ =	swait.ge [sflag:s18], $0x8000  }
0x75: {  	[sflag:s18] =	ssyncset.done $0x0  }
0x76: {  	[sflag:s18] =	ssyncadd.s32 $0xFFFF8000  }
0x77: {  	_ =	swait.ge [sflag:s18], $0x8000  }
0x78: {  	[sflag:s18] =	ssyncset.done $0x0  }
0x79: {  	s19 =	rddreg [dreg:$0x4];
	[sflag:s18] =	ssyncadd.s32 $0xFFFF8000  }
0x7a: {  	[hbm4b:s19+s2] =	stream.linear.scatter [tilespmem:s25], [sflag:$0x2], $0x8000, $0x38;
	[tilespmem:$0x10100] =	vst v63  }
0x7b: {  	_ =	swait.ge [sflag:s8], $0x8000  }
0x7c: {  	[sflag:s8] =	ssyncset.done $0x0  }
0x7d: {  	s19 =	rddreg [dreg:$0x5];
	[sflag:s8] =	ssyncadd.s32 $0xFFFF8000  }
0x7e: {  	[hbm4b:s19+s2] =	stream.linear.scatter [tilespmem:s0], [sflag:$0x2], $0x8000, $0x38;
	[tilespmem:$0x10100] =	vst v63  }
0x7f: {  	_ =	swait.ge [sflag:s8], $0x8000  }
0x80: {  	[sflag:s8] =	ssyncset.done $0x0  }
0x81: {  	[sflag:s8] =	ssyncadd.s32 $0xFFFF8000  }
0x82: {  	v3 =	vld [tilespmem:$0x20];
	_ =	sdelay $0x4  }
0x83: {  	v60 =	vshll.u32 v3, $0x3  }
0x84: {  	v3 =	vand.u32 $0x7, v3;
	v4 =	vand.u32 $0xFFFFFFC0, v60  }
0x85: {  	v3 =	vor.u32 v3, v4  }
0x86: {  	v4 =	vperm.xlane v3, v0;
	_ =	sdelay $0x1  }
0x87: {  	v4 =	vadd.s32 v1, v4;
	_ =	sdelay $0x4  }
0x88: {  	[tilespmem:s25], [sflag:$0x1] =	stream.indirect_vreg.gather [hbm4b:s3+s2], $0x80, v4, vm0, $0xb8;
	[tilespmem:$0x10100] =	vst v63  }
0x89: {  	v3 =	vperm.xlane v3, v2  }
0x8a: {  	[tilespmem:s20], [sflag:$0x1] =	stream.indirect_vreg.gather [hbm4b:s4+s2], $0x80, v4, vm0, $0xb8;
	[tilespmem:$0x10100] =	vst v63  }
0x8b: {  	v3 =	vadd.s32 v1, v3  }
0x8c: {  	[tilespmem:s21], [sflag:$0x1] =	stream.indirect_vreg.gather [hbm4b:s5+s2], $0x80, v4, vm0, $0xb8;
	[tilespmem:$0x10100] =	vst v63  }
0x8d: {  	_ = 	snop  }
0x8e: {  	[tilespmem:s22], [sflag:$0x1] =	stream.indirect_vreg.gather [hbm4b:s6+s2], $0x80, v4, vm0, $0xb8;
	[tilespmem:$0x10100] =	vst v63  }
0x8f: {  	_ = 	snop  }
0x90: {  	[tilespmem:s23], [sflag:$0x1] =	stream.indirect_vreg.gather [hbm4b:s3+s2], $0x80, v3, vm0, $0xb8;
	[tilespmem:$0x10100] =	vst v63  }
0x91: {  	_ = 	snop  }
0x92: {  	[tilespmem:s24], [sflag:$0x1] =	stream.indirect_vreg.gather [hbm4b:s4+s2], $0x80, v3, vm0, $0xb8;
	[tilespmem:$0x10100] =	vst v63  }
0x93: {  	_ = 	snop  }
0x94: {  	[tilespmem:s26], [sflag:$0x1] =	stream.indirect_vreg.gather [hbm4b:s5+s2], $0x80, v3, vm0, $0xb8;
	[tilespmem:$0x10100] =	vst v63  }
0x95: {  	_ = 	snop  }
0x96: {  	[tilespmem:s28], [sflag:$0x1] =	stream.indirect_vreg.gather [hbm4b:s6+s2], $0x80, v3, vm0, $0xb8;
	[tilespmem:$0x10100] =	vst v63  }
0x97: {  	v3 =	vld [tilespmem:$0x30];
	_ =	sdelay $0x4  }
0x98: {  	v61 =	vshll.u32 v3, $0x3  }
0x99: {  	v3 =	vand.u32 $0x7, v3;
	v4 =	vand.u32 $0xFFFFFFC0, v61  }
0x9a: {  	v3 =	vor.u32 v3, v4  }
0x9b: {  	v4 =	vperm.xlane v3, v0;
	_ =	sdelay $0x1  }
0x9c: {  	v4 =	vadd.s32 v1, v4;
	_ =	sdelay $0x4  }
0x9d: {  	[tilespmem:s29], [sflag:$0x1] =	stream.indirect_vreg.gather [hbm4b:s3+s2], $0x80, v4, vm0, $0xb8;
	[tilespmem:$0x10100] =	vst v63  }
0x9e: {  	v3 =	vperm.xlane v3, v2  }
0x9f: {  	[tilespmem:s30], [sflag:$0x1] =	stream.indirect_vreg.gather [hbm4b:s4+s2], $0x80, v4, vm0, $0xb8;
	[tilespmem:$0x10100] =	vst v63  }
0xa0: {  	v3 =	vadd.s32 v1, v3  }
0xa1: {  	[tilespmem:s31], [sflag:$0x1] =	stream.indirect_vreg.gather [hbm4b:s5+s2], $0x80, v4, vm0, $0xb8;
	[tilespmem:$0x10100] =	vst v63  }
0xa2: {  	s20 =	simm.s32 $0x5900  }
0xa3: {  	[tilespmem:s20], [sflag:$0x1] =	stream.indirect_vreg.gather [hbm4b:s6+s2], $0x80, v4, vm0, $0xb8;
	[tilespmem:$0x10100] =	vst v63  }
0xa4: {  	_ = 	snop  }
0xa5: {  	[tilespmem:s1], [sflag:$0x1] =	stream.indirect_vreg.gather [hbm4b:s3+s2], $0x80, v3, vm0, $0xb8;
	[tilespmem:$0x10100] =	vst v63  }
0xa6: {  	_ = 	snop  }
0xa7: {  	[tilespmem:s10], [sflag:$0x1] =	stream.indirect_vreg.gather [hbm4b:s4+s2], $0x80, v3, vm0, $0xb8;
	[tilespmem:$0x10100] =	vst v63  }
0xa8: {  	_ = 	snop  }
0xa9: {  	[tilespmem:s11], [sflag:$0x1] =	stream.indirect_vreg.gather [hbm4b:s5+s2], $0x80, v3, vm0, $0xb8;
	[tilespmem:$0x10100] =	vst v63  }
0xaa: {  	_ = 	snop  }
0xab: {  	[tilespmem:s12], [sflag:$0x1] =	stream.indirect_vreg.gather [hbm4b:s6+s2], $0x80, v3, vm0, $0xb8;
	[tilespmem:$0x10100] =	vst v63  }
0xac: {  	v3 =	vld [tilespmem:$0xA0];
	_ =	sdelay $0x4  }
0xad: {  	v62 =	vshll.u32 v3, $0x3  }
0xae: {  	v3 =	vand.u32 $0x7, v3;
	v4 =	vand.u32 $0xFFFFFFC0, v62  }
0xaf: {  	v3 =	vor.u32 v3, v4  }
0xb0: {  	v4 =	vperm.xlane v3, v0;
	_ =	sdelay $0x1  }
0xb1: {  	v4 =	vadd.s32 v1, v4;
	_ =	sdelay $0x4  }
0xb2: {  	[tilespmem:s0], [sflag:$0x1] =	stream.indirect_vreg.gather [hbm4b:s3+s2], $0x80, v4, vm0, $0xb8;
	[tilespmem:$0x10100] =	vst v63  }
0xb3: {  	v3 =	vperm.xlane v3, v2  }
0xb4: {  	[tilespmem:s13], [sflag:$0x1] =	stream.indirect_vreg.gather [hbm4b:s4+s2], $0x80, v4, vm0, $0xb8;
	[tilespmem:$0x10100] =	vst v63  }
0xb5: {  	v3 =	vadd.s32 v1, v3  }
0xb6: {  	[tilespmem:s14], [sflag:$0x1] =	stream.indirect_vreg.gather [hbm4b:s5+s2], $0x80, v4, vm0, $0xb8;
	[tilespmem:$0x10100] =	vst v63  }
0xb7: {  	_ = 	snop  }
0xb8: {  	[tilespmem:s15], [sflag:$0x1] =	stream.indirect_vreg.gather [hbm4b:s6+s2], $0x80, v4, vm0, $0xb8;
	[tilespmem:$0x10100] =	vst v63  }
0xb9: {  	_ = 	snop  }
0xba: {  	[tilespmem:s16], [sflag:$0x1] =	stream.indirect_vreg.gather [hbm4b:s3+s2], $0x80, v3, vm0, $0xb8;
	[tilespmem:$0x10100] =	vst v63  }
0xbb: {  	_ = 	snop  }
0xbc: {  	[tilespmem:s17], [sflag:$0x1] =	stream.indirect_vreg.gather [hbm4b:s4+s2], $0x80, v3, vm0, $0xb8;
	[tilespmem:$0x10100] =	vst v63  }
0xbd: {  	_ = 	snop  }
0xbe: {  	[tilespmem:s9], [sflag:$0x1] =	stream.indirect_vreg.gather [hbm4b:s5+s2], $0x80, v3, vm0, $0xb8;
	[tilespmem:$0x10100] =	vst v63  }
0xbf: {  	s20 =	simm.s32 $0xB900  }
0xc0: {  	[tilespmem:s20], [sflag:$0x1] =	stream.indirect_vreg.gather [hbm4b:s6+s2], $0x80, v3, vm0, $0xb8;
	[tilespmem:$0x10100] =	vst v63  }
0xc1: {  	v3 =	vld [tilespmem:$0xB0];
	_ =	sdelay $0x4  }
0xc2: {  	v63 =	vshll.u32 v3, $0x3  }
0xc3: {  	v3 =	vand.u32 $0x7, v3;
	v4 =	vand.u32 $0xFFFFFFC0, v63  }
0xc4: {  	v3 =	vor.u32 v3, v4  }
0xc5: {  	v4 =	vperm.xlane v3, v0;
	_ =	sdelay $0x1  }
0xc6: {  	v4 =	vadd.s32 v1, v4;
	_ =	sdelay $0x3  }
0xc7: {  	s19 =	simm.s32 $0xC100  }
0xc8: {  	[tilespmem:s19], [sflag:$0x1] =	stream.indirect_vreg.gather [hbm4b:s3+s2], $0x80, v4, vm0, $0xb8;
	[tilespmem:$0x10100] =	vst v63  }
0xc9: {  	s20 =	simm.s32 $0xC900;
	v3 =	vperm.xlane v3, v2  }
0xca: {  	[tilespmem:s20], [sflag:$0x1] =	stream.indirect_vreg.gather [hbm4b:s4+s2], $0x80, v4, vm0, $0xb8;
	[tilespmem:$0x10100] =	vst v63  }
0xcb: {  	v3 =	vadd.s32 v1, v3;
	s19 =	simm.s32 $0xD100  }
0xcc: {  	[tilespmem:s19], [sflag:$0x1] =	stream.indirect_vreg.gather [hbm4b:s5+s2], $0x80, v4, vm0, $0xb8;
	[tilespmem:$0x10100] =	vst v63  }
0xcd: {  	s20 =	simm.s32 $0xD900  }
0xce: {  	[tilespmem:s20], [sflag:$0x1] =	stream.indirect_vreg.gather [hbm4b:s6+s2], $0x80, v4, vm0, $0xb8;
	[tilespmem:$0x10100] =	vst v63  }
0xcf: {  	s19 =	simm.s32 $0xE100  }
0xd0: {  	[tilespmem:s19], [sflag:$0x1] =	stream.indirect_vreg.gather [hbm4b:s3+s2], $0x80, v3, vm0, $0xb8;
	[tilespmem:$0x10100] =	vst v63  }
0xd1: {  	s20 =	simm.s32 $0xE900  }
0xd2: {  	[tilespmem:s20], [sflag:$0x1] =	stream.indirect_vreg.gather [hbm4b:s4+s2], $0x80, v3, vm0, $0xb8;
	[tilespmem:$0x10100] =	vst v63  }
0xd3: {  	s19 =	simm.s32 $0xF100  }
0xd4: {  	[tilespmem:s19], [sflag:$0x1] =	stream.indirect_vreg.gather [hbm4b:s5+s2], $0x80, v3, vm0, $0xb8;
	[tilespmem:$0x10100] =	vst v63  }
0xd5: {  	s20 =	simm.s32 $0xF900  }
0xd6: {  	[tilespmem:s20], [sflag:$0x1] =	stream.indirect_vreg.gather [hbm4b:s6+s2], $0x80, v3, vm0, $0xb8;
	[tilespmem:$0x10100] =	vst v63  }
0xd7: {  	_ =	swait.ge [sflag:s18], $0x8000  }
0xd8: {  	[sflag:s18] =	ssyncset.done $0x0  }
0xd9: {  	[sflag:s18] =	ssyncadd.s32 $0xFFFF8000  }
0xda: {  	_ =	swait.ge [sflag:s18], $0x8000  }
0xdb: {  	[sflag:s18] =	ssyncset.done $0x0  }
0xdc: {  	s1 =	rddreg [dreg:$0x6];
	[sflag:s18] =	ssyncadd.s32 $0xFFFF8000  }
0xdd: {  	[hbm4b:s1+s2] =	stream.linear.scatter [tilespmem:s25], [sflag:$0x2], $0x8000, $0x38;
	[tilespmem:$0x10100] =	vst v63  }
0xde: {  	_ =	swait.ge [sflag:s8], $0x8000  }
0xdf: {  	p0 =	sne.s32 s7, $0x1;
	[sflag:s8] =	ssyncset.done $0x0  }
.Ltmp0:
0xe0: {  	s20 =	rddreg [dreg:$0x7];
	[sflag:s8] =	ssyncadd.s32 $0xFFFF8000;
	(pc) =	sbr.rel @p0 .LBB2_1-.Ltmp0, $4  }
0xe1: {  	[hbm4b:s20+s2] =	stream.linear.scatter [tilespmem:s0], [sflag:$0x2], $0x8000, $0x38;
	[tilespmem:$0x10100] =	vst v63  }
0xe2: {  	_ =	swait.ge [sflag:s8], $0x8000  }
0xe3: {  	[sflag:s8] =	ssyncset.done $0x0  }
0xe4: {  	s7 =	sadd.s32 $0xFFFFFFFF, s7;
	[sflag:s8] =	ssyncadd.s32 $0xFFFF8000  }
0xe5: {  	_ =	sfence.sel $0x180000  }
0xe6: {  	[bflag:$0x0] =	sbarrier.arrive $0xFFFF  }
0xe7: {  	_ =	strace $0x9000004A  }
0xe8: {  	s0 =	stileid.u32;
	[bflag:$0x2] =	sbarrier.arrive $0xFFFF  }
0xe9: {  	p0 =	sne.s32 s0, $0x0;
	s0 =	rddreg [dreg:$0x1]  }
0xea: {  	s0 =	sadd.s32 @!p0 $0x100000, s0  }
0xeb: {  	[sflag:s0] =	ssyncadd.tile.s32 @!p0 $0x1;
	_ =	shalt  }
.Lfunc_end2:
_tile_overlayer_lowered:
.L_overlay_start_2:
0xec: {  	(tag) =	ssettag $0x2  }
0xed: {  	s0 =	rddreg [dreg:$0x0];
	s2 =	stileid.u32  }
0xee: {  	s1 =	rddreg [dreg:$0x1];
	p0 =	sne.s32 s2, $0x0  }
0xef: {  	s3 =	rddreg [dreg:$0x2];
	[bflag:$0x3] =	sbarrier.arrive $0xFFFF;
	s2 =	simm.s32 @!p0 $0x1C02  }
0xf0: {  	[timem:s3], [sflag:s2] =	dma.local @!p0 [hbm:s0], s1  }
0xf1: {  	s0 =	simm.s32 @!p0 $0x2  }
0xf2: {  	_ =	swait.ge @!p0 [sflag:s0], s1  }
0xf3: {  	s1 =	ssub.s32 @!p0 $0x0, s1;
	[sflag:s0] =	ssyncset.done @!p0 $0x0  }
0xf4: {  	[sflag:s0] =	ssyncadd.s32 @!p0 s1  }
0xf5: {  	[bflag:$0x3] =	sbarrier.arrive $0xFFFF  }
0xf6: {  	_ =	shalt  }

// kernel: kernel.8.cloned.1.call-start
scs
__scs_entry_jumppad:
0x0: {  	(pc) =	sbr.rel $0x88, $3  }
0x1: {  	(tag) =	ssettag $0x0;
	lr =	simm.s32 $0x1  }
0x2: {  	[smem:$0x3F9A] =	sst lr;
	_ =	strace $0xD0000000  }
0x3: {  	_ = 	snop  }
0x4: {  	_ = 	snop  }
0x5: {  	_ = 	snop  }
0x6: {  	_ = 	snop  }
0x7: {  	_ = 	snop  }
__scs_overlays_trampoline_lowered:
0x8: {  	[smem:$0x3FA9] =	sst s0  }
0x9: {  	[smem:$0x3FAA] =	sst s1  }
0xa: {  	[smem:$0x3FAB] =	sst s2  }
0xb: {  	[smem:$0x3FAC] =	sst s3  }
0xc: {  	[smem:$0x3FAD] =	sst s4  }
0xd: {  	[smem:$0x3FAE] =	sst s5  }
0xe: {  	[smem:$0x3FAF] =	sst s6  }
0xf: {  	[smem:$0x3FB0] =	sst s7  }
0x10: {  	[smem:$0x3FB1] =	sst s8  }
0x11: {  	[smem:$0x3FB2] =	sst s9;
	s0 =	simm.s32 @!p0 $0x0  }
0x12: {  	s1 =	sld [smem:$0x3F98];
	s0 =	simm.s32 @p0 $0x1  }
0x13: {  	[smem:$0x3FB3] =	sst s0;
	s0 =	simm.s32 @!p1 $0x0  }
0x14: {  	s2 =	sld [smem:$0x3F97];
	s0 =	simm.s32 @p1 $0x1  }
0x15: {  	[smem:$0x3FB4] =	sst s0;
	s0 =	simm.s32 @!p2 $0x0  }
0x16: {  	s3 =	sld [smem:$0x3FDB];
	s0 =	simm.s32 @p2 $0x1  }
0x17: {  	s4 =	simm.s32 $0x1BF5;
	[smem:$0x3FB6] =	sst s0  }
0x18: {  	s0 =	sld [smem:$0x3F99];
	_ =	swait.ge [sflag:s4], $0x0  }
0x19: {  	s7 =	sld [smem:$0x3F9A]  }
0x1a: {  	s8 =	sadd.s32 $0xFFFFE003, lr  }
0x1b: {  	s9 =	sadd.s32 $0xFFFFFEF7, lr;
	s5 =	simm.s32 $0xFFFFFFFF;
	p2 =	slt.u32 s8, $0xFFFFF086  }
0x1c: {  	p1 =	slt.u32 s9, $0xF7A;
	s5 =	simm.s32 @!p2 $0x0  }
0x1d: {  	s5 =	simm.s32 @p1 $0x1;
	p0 =	seq.s32 s7, s2  }
0x1e: {  	s7 =	smul.u32 @!p0 $0xF7A, s2;
	p2 =	seq.s32 @!p0 s5, $0x0  }
0x1f: {  	s9 =	smul.u32 $0xF7A, s1;
	s8 =	simm.s32 @!p0 $0x1BF5;
	p2 =	por !p2, p0  }
0x20: {  	[sflag:s8] =	ssyncset.s32 @!p0 $0xFFFFF086;
	s6 =	sadd.s32 @!p0 s3, s7;
	s7 =	simm.s32 @!p0 $0x108  }
0x21: {  	s3 =	sadd.s32 s3, s9;
	s6 =	sadd.s32 @!p0 $0x88, s6;
	s7 =	simm.s32 @p2 $0x1082  }
0x22: {  	[simem:s7], [sflag:s8] =	dma.local @!p0 [hbm:s6], $0xF7A  }
0x23: {  	s9 =	sor.u32 $0xD0000000, s2;
	s6 =	simm.s32 $0x108;
	_ =	swait.ge @!p0 [sflag:s8], $0x0  }
0x24: {  	s3 =	sadd.s32 $0x88, s3;
	s6 =	simm.s32 @!p1 $0x1082;
	[sflag:s4] =	ssyncset.s32 $0xFFFFF086  }
0x25: {  	[simem:s6], [sflag:s4] =	dma.local [hbm:s3], $0xF7A  }
0x26: {  	[smem:$0x3F9A] =	sst s1;
	(tag) =	ssettag s2;
	_ =	strace s9  }
0x27: {  	s1 =	sld [smem:$0x3FAA]  }
0x28: {  	s2 =	sld [smem:$0x3FAB]  }
0x29: {  	s4 =	sld [smem:$0x3FAD]  }
0x2a: {  	p0 =	seq.s32 s5, $0x0;
	s5 =	sld [smem:$0x3FAE]  }
0x2b: {  	s6 =	sld [smem:$0x3FAF]  }
0x2c: {  	s7 =	sld [smem:$0x3FB0]  }
0x2d: {  	s3 =	simm.s32 $0x108;
	s8 =	sld [smem:$0x3FB1]  }
0x2e: {  	s3 =	simm.s32 @!p0 $0x1082;
	s9 =	sld [smem:$0x3FB2]  }
0x2f: {  	lr =	sadd.s32 s0, s3;
	s0 =	sld [smem:$0x3FA9]  }
0x30: {  	s3 =	sld [smem:$0x3FAC]  }
0x31: {  	[smem:$0x3FB5] =	sst s10  }
0x32: {  	s10 =	sld [smem:$0x3FB3];
	_ =	sdelay $0x3  }
0x33: {  	p0 =	seq.s32 s10, $0x1;
	s10 =	sld [smem:$0x3FB5];
	_ =	sdelay $0x3  }
0x34: {  	[smem:$0x3FB5] =	sst s10  }
0x35: {  	s10 =	sld [smem:$0x3FB4];
	_ =	sdelay $0x3  }
0x36: {  	p1 =	seq.s32 s10, $0x1;
	s10 =	sld [smem:$0x3FB5];
	_ =	sdelay $0x3  }
0x37: {  	[smem:$0x3FB5] =	sst s10  }
0x38: {  	s10 =	sld [smem:$0x3FB6]  }
0x39: {  	_ = 	snop;
	(pc) =	sbr.ind lr, $3  }
0x3a: {  	_ = 	snop  }
0x3b: {  	_ = 	snop  }
0x3c: {  	p2 =	seq.s32 s10, $0x1;
	s10 =	sld [smem:$0x3FB5]  }
0x3d: {  	_ =	shalt  }
0x3e: {  	_ =	shalt  }
0x3f: {  	_ =	shalt  }
0x40: {  	_ =	shalt  }
0x41: {  	_ =	shalt  }
0x42: {  	_ =	shalt  }
0x43: {  	_ =	shalt  }
0x44: {  	_ =	shalt  }
0x45: {  	_ =	shalt  }
0x46: {  	_ =	shalt  }
0x47: {  	_ =	shalt  }
0x48: {  	_ =	shalt  }
0x49: {  	_ =	shalt  }
0x4a: {  	_ =	shalt  }
0x4b: {  	_ =	shalt  }
0x4c: {  	_ =	shalt  }
0x4d: {  	_ =	shalt  }
0x4e: {  	_ =	shalt  }
0x4f: {  	_ =	shalt  }
0x50: {  	_ =	shalt  }
0x51: {  	_ =	shalt  }
0x52: {  	_ =	shalt  }
0x53: {  	_ =	shalt  }
0x54: {  	_ =	shalt  }
0x55: {  	_ =	shalt  }
0x56: {  	_ =	shalt  }
0x57: {  	_ =	shalt  }
0x58: {  	_ =	shalt  }
0x59: {  	_ =	shalt  }
0x5a: {  	_ =	shalt  }
0x5b: {  	_ =	shalt  }
0x5c: {  	_ =	shalt  }
0x5d: {  	_ =	shalt  }
0x5e: {  	_ =	shalt  }
0x5f: {  	_ =	shalt  }
0x60: {  	_ =	shalt  }
0x61: {  	_ =	shalt  }
0x62: {  	_ =	shalt  }
0x63: {  	_ =	shalt  }
0x64: {  	_ =	shalt  }
0x65: {  	_ =	shalt  }
0x66: {  	_ =	shalt  }
0x67: {  	_ =	shalt  }
0x68: {  	_ =	shalt  }
0x69: {  	_ =	shalt  }
0x6a: {  	_ =	shalt  }
0x6b: {  	_ =	shalt  }
0x6c: {  	_ =	shalt  }
0x6d: {  	_ =	shalt  }
0x6e: {  	_ =	shalt  }
0x6f: {  	_ =	shalt  }
0x70: {  	_ =	shalt  }
0x71: {  	_ =	shalt  }
0x72: {  	_ =	shalt  }
0x73: {  	_ =	shalt  }
0x74: {  	_ =	shalt  }
0x75: {  	_ =	shalt  }
0x76: {  	_ =	shalt  }
0x77: {  	_ =	shalt  }
0x78: {  	_ =	shalt  }
0x79: {  	_ =	shalt  }
0x7a: {  	_ =	shalt  }
0x7b: {  	_ =	shalt  }
0x7c: {  	_ =	shalt  }
0x7d: {  	_ =	shalt  }
0x7e: {  	_ =	shalt  }
0x7f: {  	_ =	shalt  }
0x80: {  	_ =	shalt  }
0x81: {  	_ =	shalt  }
0x82: {  	_ =	shalt  }
0x83: {  	_ =	shalt  }
0x84: {  	_ =	shalt  }
0x85: {  	_ =	shalt  }
0x86: {  	_ =	shalt  }
0x87: {  	_ =	shalt  }
.Lfunc_end0:
.L_simem_size_0:
called_computation_lowered:
.L_overlay_start_0:
0x88: {  	s2 =	sld [smem:$0x3FD9]  }
0x89: {  	s3 =	sld [smem:$0x3FFE];
	_ =	sdelay $0x1  }
0x8a: {  	s1 =	srdreg.scid  }
0x8b: {  	s0 =	sand.u32 $0x1, s1  }
0x8c: {  	s17 =	sshll.u32 s0, $0xA;
	s2 =	sadd.s32 s3, s2  }
0x8d: {  	s2 =	sadd.s32 s2, s17  }
0x8e: {  	[smem:$0x3FC1] =	sst s2  }
0x8f: {  	_ = 	snop  }
0x90: {  	s2 =	sld [smem:$0x3FC9];
	(tm) =	ssettm $0x1  }
0x91: {  	s18 =	sld [smem:$0x3FFB];
	_ =	sdelay $0x3  }
0x92: {  	_ =	strace s18  }
0x93: {  	s3 =	sld [smem:$0x3FFC];
	_ =	sdelay $0x3  }
0x94: {  	_ =	strace s3  }
0x95: {  	s3 =	sld [smem:$0x3FFD];
	_ =	sdelay $0x3  }
0x96: {  	_ =	strace s3  }
0x97: {  	_ =	strace $0x8FFFFFFF  }
0x98: {  	s19 =	sld [smem:$0x3FDB];
	_ =	sdelay $0x1  }
0x99: {  	s4 =	simm.s32 $_scs_section_size  }
0x9a: {  	s5 =	simm.s32 $_size__tile_overlayer_lowered;
	s6 =	simm.s32 $_tile_overlayer_lowered  }
0x9b: {  	s22 =	simm.s32 $0x1BFF;
	s21 =	sshll.u32 s6, $0x1;
	s3 =	sadd.s32 s4, s19  }
0x9c: {  	s7 =	simm.s32 $0x0;
	s20 =	sshll.u32 s5, $0x1;
	s5 =	sadd.s32 s21, s3  }
0x9d: {  	[timem:s7], [sflag:s22] =	dma.local [hbm:s5], s20  }
0x9e: {  	_ =	swait.ge [sflag:s22], s20  }
0x9f: {  	s4 =	ssub.s32 $0x0, s20;
	[sflag:s22] =	ssyncset.done $0x0  }
0xa0: {  	[sflag:s22] =	ssyncadd.s32 s4;
	_ =	sdelay $0x1  }
0xa1: {  	s23 =	simm.s32 $0x1B8B  }
0xa2: {  	_ =	swait.ge [sflag:s23], $0x1  }
0xa3: {  	[sflag:s23] =	ssyncset.done $0x0  }
0xa4: {  	s25 =	simm.s32 $0x1B8E;
	s24 =	sld [smem:$0x3FFE];
	[sflag:s23] =	ssyncadd.s32 $0xFFFFFFFF  }
0xa5: {  	s26 =	simm.s32 $execute0_lowered;
	[smem:$0x3FD2] =	sst s25  }
0xa6: {  	s5 =	sshll.u32 s26, $0x1;
	_ =	strace $0x80000046;
	[dreg:$0x1] =	wrdreg $0xFFFFFFFF  }
0xa7: {  	s28 =	simm.s32 $_size_execute0_lowered;
	s3 =	sadd.s32 s3, s5;
	[dreg:$0x0] =	wrdreg $0x0  }
0xa8: {  	s5 =	sshll.u32 s28, $0x1;
	[dreg:$0x2] =	wrdreg s3  }
0xa9: {  	[dreg:$0x3] =	wrdreg s5  }
0xaa: {  	[dreg:$0x4] =	wrdreg $0xC0  }
0xab: {  	_ =	task [dreg:s7], $0x5FFFF  }
0xac: {  	[dreg:$0x1] =	wrdreg $0xFFFFFFFF  }
0xad: {  	[dreg:$0x0] =	wrdreg $0x60  }
0xae: {  	[dreg:$0x2] =	wrdreg s2  }
0xaf: {  	[dreg:$0x3] =	wrdreg s24  }
0xb0: {  	[dreg:$0x4] =	wrdreg $0x9  }
0xb1: {  	_ =	task.clear_ibuf [dreg:s7], $0x5FFFF;
	_ =	strace $0x90000046  }
0xb2: {  	s29 =	simm.s32 $0x9;
	_ =	strace $0x80000048  }
0xb3: {  	_ =	swait.ge [sflag:s29], $0x1  }
0xb4: {  	[sflag:s29] =	ssyncadd.s32 $0xFFFFFFFF  }
0xb5: {  	_ =	strace $0x90000048  }
0xb6: {  	_ =	sfence  }
0xb7: {  	s30 =	sld [smem:$0x0];
	_ =	sdelay $0x2  }
0xb8: {  	s31 =	sshll.u32 s1, $0xD;
	s1 =	sshrl.u32 s1, $0x2  }
0xb9: {  	s3 =	sand.u32 $0x4000, s31;
	s1 =	sadd.s32 s1, s30  }
0xba: {  	s0 =	sor.u32 s3, s0;
	s1 =	sshll.u32 s1, $0x11  }
0xbb: {  	s0 =	sor.u32 s1, s0  }
0xbc: {  	s0 =	sadd.s32 $0x8F2B, s0  }
0xbd: {  	[sflag:s0] =	ssyncadd.remote.s32 $0x1  }
0xbe: {  	_ =	sfence.sel $0xFFFF  }
0xbf: {  	[dreg:$0x0] =	wrdreg $0xFFFFFFFF;
	(pc) =	sbr.abs _section_cstart, $3  }
0xc0: {  	[dreg:$0x1] =	wrdreg $0xFFFFFFFF  }
0xc1: {  	_ =	task.clear_ibuf [dreg:s7], $0x2FFFF;
	_ =	strace $0x9FFFFFFF  }
0xc2: {  	(tm) =	ssettm $0x7FFFFFFF  }
0xc3: {  	_ =	shalt  }
tec
execute0_lowered:
.L_overlay_start_1:
0x0: {  	(tag) =	ssettag $0x1  }
0x1: {  	s0 =	rddreg [dreg:$0x0];
	s1 =	srdreg.scid  }
0x2: {  	s2 =	stileid.u32;
	s4 =	rddreg [dreg:$0x1];
	s9 =	simm.s32 $0x2  }
0x3: {  	s19 =	simm.s32 $0x1;
	s21 =	simm.s32 $0x900;
	s22 =	simm.s32 $0x1100  }
0x4: {  	s23 =	simm.s32 $0x1900;
	s24 =	simm.s32 $0x2100;
	s25 =	simm.s32 $0x2900  }
0x5: {  	s26 =	simm.s32 $0x3100;
	s28 =	simm.s32 $0x3900;
	s29 =	simm.s32 $0x4100  }
0x6: {  	s30 =	simm.s32 $0x4900;
	s31 =	simm.s32 $0x5100;
	s11 =	simm.s32 $0x6900  }
0x7: {  	s12 =	simm.s32 $0x7100;
	s13 =	simm.s32 $0x8100;
	s14 =	simm.s32 $0x8900  }
0x8: {  	s15 =	simm.s32 $0x9100;
	s16 =	simm.s32 $0x9900;
	s17 =	simm.s32 $0xA100  }
0x9: {  	s18 =	simm.s32 $0xA900;
	s1 =	sand.u32 $0x1, s1;
	s3 =	sshll.u32 s2, $0x1  }
0xa: {  	s10 =	simm.s32 $0xB100;
	s2 =	simm.s32 $0x0;
	s5 =	sor.u32 s1, s3  }
0xb: {  	[smem:$0x7FF] =	sst s2;
	s1 =	ssub.s32 $0x2, s1;
	s3 =	sshll.u32 s5, $0x5  }
0xc: {  	_ =	strace $0x80000047;
	s7 =	sshrl.u32 s1, $0x1;
	s5 =	sshll.u32 s5, $0xE  }
0xd: {  	s6 =	sadd.s32 s3, s4;
	s3 =	sadd.s32 $0x2800, s4;
	s1 =	ssub.s32 s1, s7  }
0xe: {  	s5 =	sand.u32 $0x3C000, s5;
	s7 =	sadd.s32 $0x2B00, s4;
	s6 =	sadd.s32 $0x2400, s6  }
0xf: {  	v2 =	vlaneseq.u32;
	s0 =	sadd.s32 s0, s5;
	s5 =	sadd.s32 $0x2900, s4;
	[dreg:$0x3] =	wrdreg s6  }
0x10: {  	vm0 =	vmmov $0xffff;
	v1 =	vshrl.u32 v2, $0x3;
	s8 =	smax.u32 s1, $0x1;
	[dreg:$0x5] =	wrdreg s0;
	s0 =	sadd.s32 $0x2000, s0  }
0x11: {  	v0 =	vand.u32 $0x7, v2;
	v2 =	vor.u32 $0x8, v2;
	v1 =	vmul.u32 $0x8, v1;
	s1 =	simm.s32 $0x5900;
	s6 =	sadd.s32 $0x2A00, s4;
	[dreg:$0x4] =	wrdreg s0  }
.LBB2_1:
0x12: {  	s20 =	rddreg [dreg:$0x3]  }
0x13: {  	[tilespmem:s2], [sflag:$0x2] =	stream.linear.gather [hbm4b:s20+s2], $0x100, $0x38;
	[tilespmem:$0x10100] =	vst v63  }
0x14: {  	_ =	swait.ge [sflag:s9], $0x100  }
0x15: {  	[sflag:s9] =	ssyncset.done $0x0  }
0x16: {  	s0 =	simm.s32 $0x100;
	s4 =	rddreg [dreg:$0x5];
	[sflag:s9] =	ssyncadd.s32 $0xFFFFFF00  }
0x17: {  	[tilespmem:s0], [sflag:$0x2] =	stream.linear.gather [hbm4b:s4+s2], $0x10000, $0x38;
	[tilespmem:$0x10100] =	vst v63  }
0x18: {  	_ =	swait.ge [sflag:s9], $0x10000  }
0x19: {  	[sflag:s9] =	ssyncset.done $0x0  }
0x1a: {  	[sflag:s9] =	ssyncadd.s32 $0xFFFF0000  }
0x1b: {  	v3 =	vld [tilespmem:$0x0];
	_ =	sdelay $0x4  }
0x1c: {  	v4 =	vshll.u32 v3, $0x3  }
0x1d: {  	v3 =	vand.u32 $0x7, v3;
	v4 =	vand.u32 $0xFFFFFFC0, v4  }
0x1e: {  	v3 =	vor.u32 v3, v4  }
0x1f: {  	v4 =	vperm.xlane v3, v0;
	_ =	sdelay $0x1  }
0x20: {  	v4 =	vadd.s32 v1, v4;
	_ =	sdelay $0x4  }
0x21: {  	[hbm4b:s3+s2] =	stream.indirect_vreg.scatter [tilespmem:s0], [sflag:$0x1], $0x80, v4, vm0, $0xb8;
	[tilespmem:$0x10100] =	vst v63  }
0x22: {  	v3 =	vperm.xlane v3, v2  }
0x23: {  	[hbm4b:s5+s2] =	stream.indirect_vreg.scatter [tilespmem:s21], [sflag:$0x1], $0x80, v4, vm0, $0xb8;
	[tilespmem:$0x10100] =	vst v63  }
0x24: {  	v3 =	vadd.s32 v1, v3  }
0x25: {  	[hbm4b:s6+s2] =	stream.indirect_vreg.scatter [tilespmem:s22], [sflag:$0x1], $0x80, v4, vm0, $0xb8;
	[tilespmem:$0x10100] =	vst v63  }
0x26: {  	_ = 	snop  }
0x27: {  	[hbm4b:s7+s2] =	stream.indirect_vreg.scatter [tilespmem:s23], [sflag:$0x1], $0x80, v4, vm0, $0xb8;
	[tilespmem:$0x10100] =	vst v63  }
0x28: {  	_ = 	snop  }
0x29: {  	[hbm4b:s3+s2] =	stream.indirect_vreg.scatter [tilespmem:s24], [sflag:$0x1], $0x80, v3, vm0, $0xb8;
	[tilespmem:$0x10100] =	vst v63  }
0x2a: {  	_ = 	snop  }
0x2b: {  	[hbm4b:s5+s2] =	stream.indirect_vreg.scatter [tilespmem:s25], [sflag:$0x1], $0x80, v3, vm0, $0xb8;
	[tilespmem:$0x10100] =	vst v63  }
0x2c: {  	_ = 	snop  }
0x2d: {  	[hbm4b:s6+s2] =	stream.indirect_vreg.scatter [tilespmem:s26], [sflag:$0x1], $0x80, v3, vm0, $0xb8;
	[tilespmem:$0x10100] =	vst v63  }
0x2e: {  	_ = 	snop  }
0x2f: {  	[hbm4b:s7+s2] =	stream.indirect_vreg.scatter [tilespmem:s28], [sflag:$0x1], $0x80, v3, vm0, $0xb8;
	[tilespmem:$0x10100] =	vst v63  }
0x30: {  	v3 =	vld [tilespmem:$0x10];
	_ =	sdelay $0x4  }
0x31: {  	v57 =	vshll.u32 v3, $0x3  }
0x32: {  	v3 =	vand.u32 $0x7, v3;
	v4 =	vand.u32 $0xFFFFFFC0, v57  }
0x33: {  	v3 =	vor.u32 v3, v4  }
0x34: {  	v4 =	vperm.xlane v3, v0;
	_ =	sdelay $0x1  }
0x35: {  	v4 =	vadd.s32 v1, v4;
	_ =	sdelay $0x4  }
0x36: {  	[hbm4b:s3+s2] =	stream.indirect_vreg.scatter [tilespmem:s29], [sflag:$0x1], $0x80, v4, vm0, $0xb8;
	[tilespmem:$0x10100] =	vst v63  }
0x37: {  	v3 =	vperm.xlane v3, v2  }
0x38: {  	[hbm4b:s5+s2] =	stream.indirect_vreg.scatter [tilespmem:s30], [sflag:$0x1], $0x80, v4, vm0, $0xb8;
	[tilespmem:$0x10100] =	vst v63  }
0x39: {  	v3 =	vadd.s32 v1, v3  }
0x3a: {  	[hbm4b:s6+s2] =	stream.indirect_vreg.scatter [tilespmem:s31], [sflag:$0x1], $0x80, v4, vm0, $0xb8;
	[tilespmem:$0x10100] =	vst v63  }
0x3b: {  	_ = 	snop  }
0x3c: {  	[hbm4b:s7+s2] =	stream.indirect_vreg.scatter [tilespmem:s1], [sflag:$0x1], $0x80, v4, vm0, $0xb8;
	[tilespmem:$0x10100] =	vst v63  }
0x3d: {  	s4 =	simm.s32 $0x6100  }
0x3e: {  	[hbm4b:s3+s2] =	stream.indirect_vreg.scatter [tilespmem:s4], [sflag:$0x1], $0x80, v3, vm0, $0xb8;
	[tilespmem:$0x10100] =	vst v63  }
0x3f: {  	_ = 	snop  }
0x40: {  	[hbm4b:s5+s2] =	stream.indirect_vreg.scatter [tilespmem:s11], [sflag:$0x1], $0x80, v3, vm0, $0xb8;
	[tilespmem:$0x10100] =	vst v63  }
0x41: {  	_ = 	snop  }
0x42: {  	[hbm4b:s6+s2] =	stream.indirect_vreg.scatter [tilespmem:s12], [sflag:$0x1], $0x80, v3, vm0, $0xb8;
	[tilespmem:$0x10100] =	vst v63  }
0x43: {  	s4 =	simm.s32 $0x7900  }
0x44: {  	[hbm4b:s7+s2] =	stream.indirect_vreg.scatter [tilespmem:s4], [sflag:$0x1], $0x80, v3, vm0, $0xb8;
	[tilespmem:$0x10100] =	vst v63  }
0x45: {  	v3 =	vld [tilespmem:$0x20];
	_ =	sdelay $0x4  }
0x46: {  	v58 =	vshll.u32 v3, $0x3  }
0x47: {  	v3 =	vand.u32 $0x7, v3;
	v4 =	vand.u32 $0xFFFFFFC0, v58  }
0x48: {  	v3 =	vor.u32 v3, v4  }
0x49: {  	v4 =	vperm.xlane v3, v0;
	_ =	sdelay $0x1  }
0x4a: {  	v4 =	vadd.s32 v1, v4;
	_ =	sdelay $0x4  }
0x4b: {  	[hbm4b:s3+s2] =	stream.indirect_vreg.scatter [tilespmem:s13], [sflag:$0x1], $0x80, v4, vm0, $0xb8;
	[tilespmem:$0x10100] =	vst v63  }
0x4c: {  	v3 =	vperm.xlane v3, v2  }
0x4d: {  	[hbm4b:s5+s2] =	stream.indirect_vreg.scatter [tilespmem:s14], [sflag:$0x1], $0x80, v4, vm0, $0xb8;
	[tilespmem:$0x10100] =	vst v63  }
0x4e: {  	v3 =	vadd.s32 v1, v3  }
0x4f: {  	[hbm4b:s6+s2] =	stream.indirect_vreg.scatter [tilespmem:s15], [sflag:$0x1], $0x80, v4, vm0, $0xb8;
	[tilespmem:$0x10100] =	vst v63  }
0x50: {  	_ = 	snop  }
0x51: {  	[hbm4b:s7+s2] =	stream.indirect_vreg.scatter [tilespmem:s16], [sflag:$0x1], $0x80, v4, vm0, $0xb8;
	[tilespmem:$0x10100] =	vst v63  }
0x52: {  	_ = 	snop  }
0x53: {  	[hbm4b:s3+s2] =	stream.indirect_vreg.scatter [tilespmem:s17], [sflag:$0x1], $0x80, v3, vm0, $0xb8;
	[tilespmem:$0x10100] =	vst v63  }
0x54: {  	_ = 	snop  }
0x55: {  	[hbm4b:s5+s2] =	stream.indirect_vreg.scatter [tilespmem:s18], [sflag:$0x1], $0x80, v3, vm0, $0xb8;
	[tilespmem:$0x10100] =	vst v63  }
0x56: {  	_ = 	snop  }
0x57: {  	[hbm4b:s6+s2] =	stream.indirect_vreg.scatter [tilespmem:s10], [sflag:$0x1], $0x80, v3, vm0, $0xb8;
	[tilespmem:$0x10100] =	vst v63  }
0x58: {  	s20 =	simm.s32 $0xB900  }
0x59: {  	[hbm4b:s7+s2] =	stream.indirect_vreg.scatter [tilespmem:s20], [sflag:$0x1], $0x80, v3, vm0, $0xb8;
	[tilespmem:$0x10100] =	vst v63  }
0x5a: {  	v3 =	vld [tilespmem:$0x30];
	_ =	sdelay $0x4  }
0x5b: {  	v59 =	vshll.u32 v3, $0x3  }
0x5c: {  	v3 =	vand.u32 $0x7, v3;
	v4 =	vand.u32 $0xFFFFFFC0, v59  }
0x5d: {  	v3 =	vor.u32 v3, v4  }
0x5e: {  	v4 =	vperm.xlane v3, v0;
	_ =	sdelay $0x1  }
0x5f: {  	v4 =	vadd.s32 v1, v4;
	_ =	sdelay $0x3  }
0x60: {  	s20 =	simm.s32 $0xC100  }
0x61: {  	[hbm4b:s3+s2] =	stream.indirect_vreg.scatter [tilespmem:s20], [sflag:$0x1], $0x80, v4, vm0, $0xb8;
	[tilespmem:$0x10100] =	vst v63  }
0x62: {  	v3 =	vperm.xlane v3, v2;
	s20 =	simm.s32 $0xC900  }
0x63: {  	[hbm4b:s5+s2] =	stream.indirect_vreg.scatter [tilespmem:s20], [sflag:$0x1], $0x80, v4, vm0, $0xb8;
	[tilespmem:$0x10100] =	vst v63  }
0x64: {  	v3 =	vadd.s32 v1, v3;
	s20 =	simm.s32 $0xD100  }
0x65: {  	[hbm4b:s6+s2] =	stream.indirect_vreg.scatter [tilespmem:s20], [sflag:$0x1], $0x80, v4, vm0, $0xb8;
	[tilespmem:$0x10100] =	vst v63  }
0x66: {  	s20 =	simm.s32 $0xD900  }
0x67: {  	[hbm4b:s7+s2] =	stream.indirect_vreg.scatter [tilespmem:s20], [sflag:$0x1], $0x80, v4, vm0, $0xb8;
	[tilespmem:$0x10100] =	vst v63  }
0x68: {  	s20 =	simm.s32 $0xE100  }
0x69: {  	[hbm4b:s3+s2] =	stream.indirect_vreg.scatter [tilespmem:s20], [sflag:$0x1], $0x80, v3, vm0, $0xb8;
	[tilespmem:$0x10100] =	vst v63  }
0x6a: {  	s20 =	simm.s32 $0xE900  }
0x6b: {  	[hbm4b:s5+s2] =	stream.indirect_vreg.scatter [tilespmem:s20], [sflag:$0x1], $0x80, v3, vm0, $0xb8;
	[tilespmem:$0x10100] =	vst v63  }
0x6c: {  	s20 =	simm.s32 $0xF100  }
0x6d: {  	[hbm4b:s6+s2] =	stream.indirect_vreg.scatter [tilespmem:s20], [sflag:$0x1], $0x80, v3, vm0, $0xb8;
	[tilespmem:$0x10100] =	vst v63  }
0x6e: {  	s20 =	simm.s32 $0xF900  }
0x6f: {  	[hbm4b:s7+s2] =	stream.indirect_vreg.scatter [tilespmem:s20], [sflag:$0x1], $0x80, v3, vm0, $0xb8;
	[tilespmem:$0x10100] =	vst v63  }
0x70: {  	_ =	swait.ge [sflag:s19], $0x10000  }
0x71: {  	[sflag:s19] =	ssyncset.done $0x0  }
0x72: {  	s20 =	rddreg [dreg:$0x4];
	[sflag:s19] =	ssyncadd.s32 $0xFFFF0000  }
0x73: {  	[tilespmem:s0], [sflag:$0x2] =	stream.linear.gather [hbm4b:s20+s2], $0x10000, $0x38;
	[tilespmem:$0x10100] =	vst v63  }
0x74: {  	_ =	swait.ge [sflag:s9], $0x10000  }
0x75: {  	[sflag:s9] =	ssyncset.done $0x0  }
0x76: {  	[sflag:s9] =	ssyncadd.s32 $0xFFFF0000  }
0x77: {  	v3 =	vld [tilespmem:$0x80];
	_ =	sdelay $0x4  }
0x78: {  	v60 =	vshll.u32 v3, $0x3  }
0x79: {  	v3 =	vand.u32 $0x7, v3;
	v4 =	vand.u32 $0xFFFFFFC0, v60  }
0x7a: {  	v3 =	vor.u32 v3, v4  }
0x7b: {  	v4 =	vperm.xlane v3, v0;
	_ =	sdelay $0x1  }
0x7c: {  	v4 =	vadd.s32 v1, v4;
	_ =	sdelay $0x4  }
0x7d: {  	[hbm4b:s3+s2] =	stream.indirect_vreg.scatter [tilespmem:s0], [sflag:$0x1], $0x80, v4, vm0, $0xb8;
	[tilespmem:$0x10100] =	vst v63  }
0x7e: {  	v3 =	vperm.xlane v3, v2  }
0x7f: {  	[hbm4b:s5+s2] =	stream.indirect_vreg.scatter [tilespmem:s21], [sflag:$0x1], $0x80, v4, vm0, $0xb8;
	[tilespmem:$0x10100] =	vst v63  }
0x80: {  	v3 =	vadd.s32 v1, v3  }
0x81: {  	[hbm4b:s6+s2] =	stream.indirect_vreg.scatter [tilespmem:s22], [sflag:$0x1], $0x80, v4, vm0, $0xb8;
	[tilespmem:$0x10100] =	vst v63  }
0x82: {  	_ = 	snop  }
0x83: {  	[hbm4b:s7+s2] =	stream.indirect_vreg.scatter [tilespmem:s23], [sflag:$0x1], $0x80, v4, vm0, $0xb8;
	[tilespmem:$0x10100] =	vst v63  }
0x84: {  	_ = 	snop  }
0x85: {  	[hbm4b:s3+s2] =	stream.indirect_vreg.scatter [tilespmem:s24], [sflag:$0x1], $0x80, v3, vm0, $0xb8;
	[tilespmem:$0x10100] =	vst v63  }
0x86: {  	_ = 	snop  }
0x87: {  	[hbm4b:s5+s2] =	stream.indirect_vreg.scatter [tilespmem:s25], [sflag:$0x1], $0x80, v3, vm0, $0xb8;
	[tilespmem:$0x10100] =	vst v63  }
0x88: {  	_ = 	snop  }
0x89: {  	[hbm4b:s6+s2] =	stream.indirect_vreg.scatter [tilespmem:s26], [sflag:$0x1], $0x80, v3, vm0, $0xb8;
	[tilespmem:$0x10100] =	vst v63  }
0x8a: {  	_ = 	snop  }
0x8b: {  	[hbm4b:s7+s2] =	stream.indirect_vreg.scatter [tilespmem:s28], [sflag:$0x1], $0x80, v3, vm0, $0xb8;
	[tilespmem:$0x10100] =	vst v63  }
0x8c: {  	v3 =	vld [tilespmem:$0x90];
	_ =	sdelay $0x4  }
0x8d: {  	v61 =	vshll.u32 v3, $0x3  }
0x8e: {  	v3 =	vand.u32 $0x7, v3;
	v4 =	vand.u32 $0xFFFFFFC0, v61  }
0x8f: {  	v3 =	vor.u32 v3, v4  }
0x90: {  	v4 =	vperm.xlane v3, v0;
	_ =	sdelay $0x1  }
0x91: {  	v4 =	vadd.s32 v1, v4;
	_ =	sdelay $0x4  }
0x92: {  	[hbm4b:s3+s2] =	stream.indirect_vreg.scatter [tilespmem:s29], [sflag:$0x1], $0x80, v4, vm0, $0xb8;
	[tilespmem:$0x10100] =	vst v63  }
0x93: {  	v3 =	vperm.xlane v3, v2  }
0x94: {  	[hbm4b:s5+s2] =	stream.indirect_vreg.scatter [tilespmem:s30], [sflag:$0x1], $0x80, v4, vm0, $0xb8;
	[tilespmem:$0x10100] =	vst v63  }
0x95: {  	v3 =	vadd.s32 v1, v3  }
0x96: {  	[hbm4b:s6+s2] =	stream.indirect_vreg.scatter [tilespmem:s31], [sflag:$0x1], $0x80, v4, vm0, $0xb8;
	[tilespmem:$0x10100] =	vst v63  }
0x97: {  	_ = 	snop  }
0x98: {  	[hbm4b:s7+s2] =	stream.indirect_vreg.scatter [tilespmem:s1], [sflag:$0x1], $0x80, v4, vm0, $0xb8;
	[tilespmem:$0x10100] =	vst v63  }
0x99: {  	s20 =	simm.s32 $0x6100  }
0x9a: {  	[hbm4b:s3+s2] =	stream.indirect_vreg.scatter [tilespmem:s20], [sflag:$0x1], $0x80, v3, vm0, $0xb8;
	[tilespmem:$0x10100] =	vst v63  }
0x9b: {  	_ = 	snop  }
0x9c: {  	[hbm4b:s5+s2] =	stream.indirect_vreg.scatter [tilespmem:s11], [sflag:$0x1], $0x80, v3, vm0, $0xb8;
	[tilespmem:$0x10100] =	vst v63  }
0x9d: {  	_ = 	snop  }
0x9e: {  	[hbm4b:s6+s2] =	stream.indirect_vreg.scatter [tilespmem:s12], [sflag:$0x1], $0x80, v3, vm0, $0xb8;
	[tilespmem:$0x10100] =	vst v63  }
0x9f: {  	_ = 	snop  }
0xa0: {  	[hbm4b:s7+s2] =	stream.indirect_vreg.scatter [tilespmem:s4], [sflag:$0x1], $0x80, v3, vm0, $0xb8;
	[tilespmem:$0x10100] =	vst v63  }
0xa1: {  	v3 =	vld [tilespmem:$0xA0];
	_ =	sdelay $0x4  }
0xa2: {  	v62 =	vshll.u32 v3, $0x3  }
0xa3: {  	v3 =	vand.u32 $0x7, v3;
	v4 =	vand.u32 $0xFFFFFFC0, v62  }
0xa4: {  	v3 =	vor.u32 v3, v4  }
0xa5: {  	v4 =	vperm.xlane v3, v0;
	_ =	sdelay $0x1  }
0xa6: {  	v4 =	vadd.s32 v1, v4;
	_ =	sdelay $0x4  }
0xa7: {  	[hbm4b:s3+s2] =	stream.indirect_vreg.scatter [tilespmem:s13], [sflag:$0x1], $0x80, v4, vm0, $0xb8;
	[tilespmem:$0x10100] =	vst v63  }
0xa8: {  	v3 =	vperm.xlane v3, v2  }
0xa9: {  	[hbm4b:s5+s2] =	stream.indirect_vreg.scatter [tilespmem:s14], [sflag:$0x1], $0x80, v4, vm0, $0xb8;
	[tilespmem:$0x10100] =	vst v63  }
0xaa: {  	v3 =	vadd.s32 v1, v3  }
0xab: {  	[hbm4b:s6+s2] =	stream.indirect_vreg.scatter [tilespmem:s15], [sflag:$0x1], $0x80, v4, vm0, $0xb8;
	[tilespmem:$0x10100] =	vst v63  }
0xac: {  	_ = 	snop  }
0xad: {  	[hbm4b:s7+s2] =	stream.indirect_vreg.scatter [tilespmem:s16], [sflag:$0x1], $0x80, v4, vm0, $0xb8;
	[tilespmem:$0x10100] =	vst v63  }
0xae: {  	_ = 	snop  }
0xaf: {  	[hbm4b:s3+s2] =	stream.indirect_vreg.scatter [tilespmem:s17], [sflag:$0x1], $0x80, v3, vm0, $0xb8;
	[tilespmem:$0x10100] =	vst v63  }
0xb0: {  	_ = 	snop  }
0xb1: {  	[hbm4b:s5+s2] =	stream.indirect_vreg.scatter [tilespmem:s18], [sflag:$0x1], $0x80, v3, vm0, $0xb8;
	[tilespmem:$0x10100] =	vst v63  }
0xb2: {  	_ = 	snop  }
0xb3: {  	[hbm4b:s6+s2] =	stream.indirect_vreg.scatter [tilespmem:s10], [sflag:$0x1], $0x80, v3, vm0, $0xb8;
	[tilespmem:$0x10100] =	vst v63  }
0xb4: {  	s20 =	simm.s32 $0xB900  }
0xb5: {  	[hbm4b:s7+s2] =	stream.indirect_vreg.scatter [tilespmem:s20], [sflag:$0x1], $0x80, v3, vm0, $0xb8;
	[tilespmem:$0x10100] =	vst v63  }
0xb6: {  	v3 =	vld [tilespmem:$0xB0];
	_ =	sdelay $0x4  }
0xb7: {  	v63 =	vshll.u32 v3, $0x3  }
0xb8: {  	v3 =	vand.u32 $0x7, v3;
	v4 =	vand.u32 $0xFFFFFFC0, v63  }
0xb9: {  	v3 =	vor.u32 v3, v4  }
0xba: {  	v4 =	vperm.xlane v3, v0;
	_ =	sdelay $0x1  }
0xbb: {  	v4 =	vadd.s32 v1, v4;
	_ =	sdelay $0x3  }
0xbc: {  	s4 =	simm.s32 $0xC100  }
0xbd: {  	[hbm4b:s3+s2] =	stream.indirect_vreg.scatter [tilespmem:s4], [sflag:$0x1], $0x80, v4, vm0, $0xb8;
	[tilespmem:$0x10100] =	vst v63  }
0xbe: {  	s20 =	simm.s32 $0xC900;
	v3 =	vperm.xlane v3, v2  }
0xbf: {  	[hbm4b:s5+s2] =	stream.indirect_vreg.scatter [tilespmem:s20], [sflag:$0x1], $0x80, v4, vm0, $0xb8;
	[tilespmem:$0x10100] =	vst v63  }
0xc0: {  	v3 =	vadd.s32 v1, v3;
	s4 =	simm.s32 $0xD100  }
0xc1: {  	[hbm4b:s6+s2] =	stream.indirect_vreg.scatter [tilespmem:s4], [sflag:$0x1], $0x80, v4, vm0, $0xb8;
	[tilespmem:$0x10100] =	vst v63  }
0xc2: {  	s20 =	simm.s32 $0xD900  }
0xc3: {  	[hbm4b:s7+s2] =	stream.indirect_vreg.scatter [tilespmem:s20], [sflag:$0x1], $0x80, v4, vm0, $0xb8;
	[tilespmem:$0x10100] =	vst v63  }
0xc4: {  	s4 =	simm.s32 $0xE100  }
0xc5: {  	[hbm4b:s3+s2] =	stream.indirect_vreg.scatter [tilespmem:s4], [sflag:$0x1], $0x80, v3, vm0, $0xb8;
	[tilespmem:$0x10100] =	vst v63  }
0xc6: {  	s20 =	simm.s32 $0xE900  }
0xc7: {  	[hbm4b:s5+s2] =	stream.indirect_vreg.scatter [tilespmem:s20], [sflag:$0x1], $0x80, v3, vm0, $0xb8;
	[tilespmem:$0x10100] =	vst v63  }
0xc8: {  	p0 =	sne.s32 s8, $0x1;
	s4 =	simm.s32 $0xF100  }
0xc9: {  	[hbm4b:s6+s2] =	stream.indirect_vreg.scatter [tilespmem:s4], [sflag:$0x1], $0x80, v3, vm0, $0xb8;
	[tilespmem:$0x10100] =	vst v63  }
.Ltmp0:
0xca: {  	s20 =	simm.s32 $0xF900;
	(pc) =	sbr.rel @p0 .LBB2_1-.Ltmp0, $4  }
0xcb: {  	[hbm4b:s7+s2] =	stream.indirect_vreg.scatter [tilespmem:s20], [sflag:$0x1], $0x80, v3, vm0, $0xb8;
	[tilespmem:$0x10100] =	vst v63  }
0xcc: {  	_ =	swait.ge [sflag:s19], $0x10000  }
0xcd: {  	[sflag:s19] =	ssyncset.done $0x0  }
0xce: {  	s8 =	sadd.s32 $0xFFFFFFFF, s8;
	[sflag:s19] =	ssyncadd.s32 $0xFFFF0000  }
0xcf: {  	_ =	sfence.sel $0x180000  }
0xd0: {  	[bflag:$0x0] =	sbarrier.arrive $0xFFFF  }
0xd1: {  	_ =	strace $0x90000047  }
0xd2: {  	s0 =	stileid.u32;
	[bflag:$0x2] =	sbarrier.arrive $0xFFFF  }
0xd3: {  	p0 =	sne.s32 s0, $0x0;
	s0 =	rddreg [dreg:$0x2]  }
0xd4: {  	s0 =	sadd.s32 @!p0 $0x100000, s0  }
0xd5: {  	[sflag:s0] =	ssyncadd.tile.s32 @!p0 $0x1;
	_ =	shalt  }
.Lfunc_end2:
_tile_overlayer_lowered:
.L_overlay_start_2:
0xd6: {  	(tag) =	ssettag $0x2  }
0xd7: {  	s0 =	rddreg [dreg:$0x0];
	s2 =	stileid.u32  }
0xd8: {  	s1 =	rddreg [dreg:$0x1];
	p0 =	sne.s32 s2, $0x0  }
0xd9: {  	s3 =	rddreg [dreg:$0x2];
	[bflag:$0x3] =	sbarrier.arrive $0xFFFF;
	s2 =	simm.s32 @!p0 $0x1C02  }
0xda: {  	[timem:s3], [sflag:s2] =	dma.local @!p0 [hbm:s0], s1  }
0xdb: {  	s0 =	simm.s32 @!p0 $0x2  }
0xdc: {  	_ =	swait.ge @!p0 [sflag:s0], s1  }
0xdd: {  	s1 =	ssub.s32 @!p0 $0x0, s1;
	[sflag:s0] =	ssyncset.done @!p0 $0x0  }
0xde: {  	[sflag:s0] =	ssyncadd.s32 @!p0 s1  }
0xdf: {  	[bflag:$0x3] =	sbarrier.arrive $0xFFFF  }
0xe0: {  	_ =	shalt  }

</sc_bundles>
